<compile_context>
chip_gen: v7x
topology: tpu7x:2x2x1
jax: 0.10.2.dev20260603
libtpu: 0.0.44.dev20260713+nightly
codegen_flags: <defaults>
</compile_context>

<pallas_src>
import functools

import jax
import jax.numpy as jnp
from jax import lax
from jax.experimental import pallas as pl
from jax.experimental.pallas import tpu as pltpu
from jax.experimental.pallas import tpu_sc as plsc

_EPS = 1e-5

_NC = 2
_NS = 16
_NW = _NC * _NS


@functools.partial(jax.jit, static_argnames=("chunk", "slab", "grpsz"))
def _sc_gather(gidx, tab_flat, chunk=1664, slab=32768, grpsz=52):
    n, = gidx.shape
    _, d = tab_flat.shape
    n_per_w = n // _NW
    assert n_per_w * _NW == n and n_per_w % chunk == 0
    n_ch = n_per_w // chunk

    mesh = plsc.VectorSubcoreMesh(
        core_axis_name="c", subcore_axis_name="s",
        num_cores=_NC, num_subcores=_NS)

    @functools.partial(
        pl.kernel,
        out_type=jax.ShapeDtypeStruct((n, d), jnp.float32),
        mesh=mesh,
        scratch_types=[
            pltpu.VMEM((chunk,), jnp.int32),
            pltpu.VMEM((chunk,), jnp.int32),
            pltpu.VMEM((2, chunk, d), jnp.float32),
            pltpu.SemaphoreType.DMA,
            pltpu.SemaphoreType.DMA,
            pltpu.SemaphoreType.DMA,
        ],
        compiler_params=pltpu.CompilerParams(use_tc_tiling_on_sc=False),
    )
    def gather(idx_hbm, tab_hbm, out_hbm, pos_v, idx_v, rows_v, sem, wb0, wb1):
        wid = lax.axis_index("s") * _NC + lax.axis_index("c")
        base = wid * n_per_w
        lane = lax.iota(jnp.int32, 16)
        slab_shift = slab.bit_length() - 1
        wbsems = (wb0, wb1)
        wb = [None, None]
        for k in range(n_ch):
            off = base + k * chunk

            def body(m, off=off):
                pv = (off + m * 16) + lane
                rem = jnp.bitwise_and(pv, slab - 1)
                ii = (grpsz * jnp.right_shift(rem, 2)
                      + jnp.left_shift(jnp.right_shift(pv, slab_shift), 2)
                      + jnp.bitwise_and(pv, 3))
                pos_v[pl.ds(m * 16, 16)] = ii

            lax.fori_loop(0, chunk // 16, lambda m, _: (body(m), 0)[1], 0)
            pltpu.async_copy(idx_hbm.at[pos_v], idx_v, sem).wait()
            if wb[k % 2] is not None:
                wb[k % 2].wait()
            pltpu.async_copy(tab_hbm.at[idx_v], rows_v.at[k % 2], sem).wait()
            wb[k % 2] = pltpu.async_copy(
                rows_v.at[k % 2], out_hbm.at[pl.ds(off, chunk)], wbsems[k % 2])
        for w in wb:
            if w is not None:
                w.wait()

    return gather(gidx, tab_flat)


def _tr_body(t_ref, o_ref):
    o_ref[0] = jnp.transpose(t_ref[...], (1, 0))


def _mm2_body(x_ref, w_ref, b_ref, h_ref):
    s = pl.program_id(1)

    @pl.when(s == 0)
    def _():
        h_ref[...] = jnp.broadcast_to(b_ref[0], h_ref.shape)

    h_ref[...] += lax.dot_general(
        x_ref[0], w_ref[0], (((1,), (0,)), ((), ())),
        preferred_element_type=jnp.float32)


def _bn_body(h_ref, g_ref, bt_ref, o_ref):
    h = h_ref[...]
    dout2 = h.shape[1]
    s = jnp.sum(h, axis=0, keepdims=True)
    s2 = jnp.sum(h * h, axis=0, keepdims=True)
    cnt = 2.0 * h.shape[0]
    mu = (s[:, :dout2 // 2] + s[:, dout2 // 2:]) / cnt
    ex2 = (s2[:, :dout2 // 2] + s2[:, dout2 // 2:]) / cnt
    var = ex2 - mu * mu
    mu2 = jnp.concatenate([mu, mu], axis=1)
    rs2 = jnp.concatenate([lax.rsqrt(var + _EPS)] * 2, axis=1)
    o_ref[...] = jnp.maximum((h - mu2) * rs2 * g_ref[...] + bt_ref[...], 0.0)


def kernel(features, tables, W, b, gamma, beta):
    bsz, f_num = features.shape
    _, vocab, d = tables.shape
    n = bsz * f_num

    v = features.astype(jnp.int32)
    farange = jnp.arange(f_num, dtype=jnp.int32)
    gidx = ((farange // 4 * vocab)[None, :] + v) * 4 + (farange % 4)[None, :]
    gidx = gidx.reshape(n)

    n_grp = (f_num + 3) // 4
    tab_t = jnp.transpose(tables, (0, 2, 1)).reshape(f_num * d, vocab)
    tab_p = pl.pallas_call(
        _tr_body,
        grid=(n_grp, 8),
        in_specs=[pl.BlockSpec((4 * d, 12800), lambda g, t: (g, t))],
        out_specs=pl.BlockSpec((1, 12800, 4 * d), lambda g, t: (g, t, 0)),
        out_shape=jax.ShapeDtypeStruct((n_grp, vocab, 4 * d), jnp.float32),
    )(tab_t)
    tab_flat = tab_p.reshape(n_grp * vocab * 4, d)

    npair = bsz // 2
    x3 = _sc_gather(gidx, tab_flat, slab=4 * npair,
                    grpsz=2 * f_num).reshape(13, npair, 4 * d)

    fan_in = f_num * d
    z = jnp.zeros((fan_in, d), jnp.float32)
    wc3 = jnp.concatenate(
        [jnp.concatenate([W.T, z], axis=1),
         jnp.concatenate([z, W.T], axis=1)],
        axis=0).reshape(13, 4 * d, 2 * d)
    bc = jnp.concatenate([b, b]).reshape(1, 2 * d)

    blk = 2048
    h2 = pl.pallas_call(
        _mm2_body,
        grid=(npair // blk, 13),
        in_specs=[
            pl.BlockSpec((1, blk, 4 * d), lambda i, s: (s, i, 0)),
            pl.BlockSpec((1, 4 * d, 2 * d), lambda i, s: (s, 0, 0)),
            pl.BlockSpec((1, 2 * d), lambda i, s: (0, 0)),
        ],
        out_specs=pl.BlockSpec((blk, 2 * d), lambda i, s: (i, 0)),
        out_shape=jax.ShapeDtypeStruct((npair, 2 * d), jnp.float32),
    )(x3, wc3, bc)

    g2 = jnp.concatenate([gamma, gamma]).reshape(1, 2 * d)
    bt2 = jnp.concatenate([beta, beta]).reshape(1, 2 * d)
    out2 = pl.pallas_call(
        _bn_body,
        out_shape=jax.ShapeDtypeStruct((bsz // 2, 2 * d), jnp.float32),
    )(h2, g2, bt2)
    return out2.reshape(bsz, d)

# --- scband reference (transcript-rebuilt; emitter-appended) ---
"""Pipeline reference for scband-feature-embedding-6030134083756 (READ-ONLY COPY).

The authoritative reference and input builder live on the scoring server;
editing this copy changes nothing except your own understanding.
"""

import jax, jax.numpy as jnp
import numpy as np

B = 16384
F_NUM = 26
VOCAB = 100000
D = 32
EPS = 1e-5


def setup_inputs(seed: int = 0) -> dict:
    key = jax.random.key(seed)
    k_feat, k_tab, k_w, k_b, k_g, k_be = jax.random.split(key, 6)
    features = jax.random.randint(k_feat, (B, F_NUM), 0, VOCAB, dtype=jnp.int32)
    # stacked embedding tables: one per sparse field, all same size
    tables = jax.random.normal(k_tab, (F_NUM, VOCAB, D), dtype=jnp.float32) * 0.02
    # linear: in = D * F_NUM, out = D (torch layout: [out, in])
    fan_in = D * F_NUM
    bound = 1.0 / np.sqrt(fan_in)
    W = jax.random.uniform(k_w, (D, fan_in), dtype=jnp.float32, minval=-bound, maxval=bound)
    b = jax.random.uniform(k_b, (D,), dtype=jnp.float32, minval=-bound, maxval=bound)
    gamma = jnp.ones((D,), dtype=jnp.float32)
    beta = jnp.zeros((D,), dtype=jnp.float32)
    return {"features": features, "tables": tables, "W": W, "b": b, "gamma": gamma, "beta": beta}


def reference(features, tables, W, b, gamma, beta):
    # per-field embedding lookup: tables[i][features[:, i]] -> [F_NUM, B, D]
    emb = jax.vmap(lambda t, idx: jnp.take(t, idx, axis=0), in_axes=(0, 1))(tables, features)
    # hstack -> [B, F_NUM * D]
    x = jnp.transpose(emb, (1, 0, 2)).reshape(features.shape[0], -1)
    # Linear
    h = x @ W.T + b
    # BatchNorm1d (training mode: batch statistics, biased variance)
    mu = jnp.mean(h, axis=0)
    var = jnp.mean((h - mu) ** 2, axis=0)
    hn = (h - mu) / jnp.sqrt(var + EPS) * gamma + beta
    # ReLU
    return jax.nn.relu(hn)

if __name__ == "__main__":
    import jax
    _d = setup_inputs()
    print(jax.jit(kernel)(*tuple(_d.values())))

</pallas_src>

<mosaic_0001>
#map = affine_map<(d0, d1) -> (0)>
#map1 = affine_map<(d0, d1) -> (0, 0)>
module attributes {stable_mosaic.version = 14 : i64} {
  func.func @gather(%arg0: i32, %arg1: i32, %arg2: memref<425984xi32, #tpu.memory_space<hbm>>, %arg3: memref<2800000x32xf32, #tpu.memory_space<hbm>>, %arg4: memref<425984x32xf32, #tpu.memory_space<hbm>>, %arg5: memref<1664xi32, #tpu.memory_space<vmem>>, %arg6: memref<1664xi32, #tpu.memory_space<vmem>>, %arg7: memref<2x1664x32xf32, #tpu.memory_space<vmem>>, %arg8: memref<!tpu.dma_semaphore, #tpu.memory_space<semaphore_mem>>, %arg9: memref<!tpu.dma_semaphore, #tpu.memory_space<semaphore_mem>>, %arg10: memref<!tpu.dma_semaphore, #tpu.memory_space<semaphore_mem>>) attributes {dimension_semantics = [#tpu.dimension_semantics<core_parallel>, #tpu.dimension_semantics<subcore_parallel>], iteration_bounds = array<i64: 2, 16>, scalar_prefetch = 0 : i64, scratch_operands = 6 : i64, tpu.core_type = #tpu.core_type<sc_vector_subcore>, window_params = [{transform_indices = #map}, {transform_indices = #map1}, {transform_indices = #map1}]} {
    %mul3A = arith.constant 2 : i32
    %mul3A_0 = arith.muli %arg1, %mul3A : i32
    %add3A = arith.addi %mul3A_0, %arg0 : i32
    %mul3A_1 = arith.constant 13312 : i32
    %mul3A_2 = arith.muli %add3A, %mul3A_1 : i32
    %iota3A = tpu.iota {dimensions = array<i32: 0>} : vector<16xi32>
    %add3A_3 = arith.constant 0 : i32
    %add3A_4 = arith.addi %mul3A_2, %add3A_3 : i32
    %scan3A = arith.constant 0 : i32
    %scan3A_5 = arith.constant 0 : i32
    %scan3A_6 = arith.constant 104 : i32
    %scan3A_7 = arith.addi %scan3A_5, %scan3A_6 : i32
    %scan3A_8 = arith.constant 1 : i32
    %scan3A_9 = scf.for %scan3A_440 = %scan3A_5 to %scan3A_7 step %scan3A_8 iter_args(%scan3A_441 = %scan3A) -> (i32)  : i32 {
      %mul3A_442 = arith.constant 16 : i32
      %mul3A_443 = arith.muli %scan3A_440, %mul3A_442 : i32
      %add3A_444 = arith.addi %add3A_4, %mul3A_443 : i32
      %add3A_445 = vector.broadcast %add3A_444 : i32 to vector<16xi32>
      %add3A_446 = arith.addi %add3A_445, %iota3A : vector<16xi32>
      %and3A = arith.constant 32767 : i32
      %and3A_447 = vector.broadcast %and3A : i32 to vector<16xi32>
      %and3A_448 = arith.andi %add3A_446, %and3A_447 : vector<16xi32>
      %shift_right_arithmetic3A = arith.constant 2 : i32
      %shift_right_arithmetic3A_449 = vector.broadcast %shift_right_arithmetic3A : i32 to vector<16xi32>
      %shift_right_arithmetic3A_450 = arith.shrsi %and3A_448, %shift_right_arithmetic3A_449 : vector<16xi32>
      %mul3A_451 = arith.constant 52 : i32
      %mul3A_452 = vector.broadcast %mul3A_451 : i32 to vector<16xi32>
      %mul3A_453 = arith.muli %mul3A_452, %shift_right_arithmetic3A_450 : vector<16xi32>
      %shift_right_arithmetic3A_454 = arith.constant 15 : i32
      %shift_right_arithmetic3A_455 = vector.broadcast %shift_right_arithmetic3A_454 : i32 to vector<16xi32>
      %shift_right_arithmetic3A_456 = arith.shrsi %add3A_446, %shift_right_arithmetic3A_455 : vector<16xi32>
      %shift_left3A = arith.constant 2 : i32
      %shift_left3A_457 = vector.broadcast %shift_left3A : i32 to vector<16xi32>
      %shift_left3A_458 = arith.shli %shift_right_arithmetic3A_456, %shift_left3A_457 : vector<16xi32>
      %add3A_459 = arith.addi %mul3A_453, %shift_left3A_458 : vector<16xi32>
      %and3A_460 = arith.constant 3 : i32
      %and3A_461 = vector.broadcast %and3A_460 : i32 to vector<16xi32>
      %and3A_462 = arith.andi %add3A_446, %and3A_461 : vector<16xi32>
      %add3A_463 = arith.addi %add3A_459, %and3A_462 : vector<16xi32>
      %mul3A_464 = arith.constant 16 : i32
      %mul3A_465 = arith.muli %scan3A_440, %mul3A_464 : i32
      %swap3A = arith.index_cast %mul3A_465 : i32 to index
      %swap3A_466 = tpu.vector_load %arg5[%swap3A] {strides = array<i32>} : memref<1664xi32, #tpu.memory_space<vmem>>, vector<16xi32>,
      %swap3A_467 = vector.shape_cast %swap3A_466 : vector<16xi32> to vector<16xi32>
      %swap3A_468 = vector.shape_cast %add3A_463 : vector<16xi32> to vector<16xi32>
      tpu.vector_store %arg5[%swap3A], %swap3A_468 {strides = array<i32>} : memref<1664xi32, #tpu.memory_space<vmem>>, vector<16xi32>,
      %scan3A_469 = arith.constant 0 : i32
      scf.yield %scan3A_469 : i32
    }
    %scan3A_10 = arith.constant 104 : i32
    %dma_start3A = arith.constant 0 : i32
    %dma_start3A_11 = tpu.memref_slice %arg2[%dma_start3A] : memref<425984xi32, #tpu.memory_space<hbm>> -> memref<425984xi32, #tpu.memory_space<hbm>>
    tpu.enqueue_indirect_dma source(%dma_start3A_11 : memref<425984xi32, #tpu.memory_space<hbm>>) target(%arg6 : memref<1664xi32, #tpu.memory_space<vmem>>) offsets(%arg5 : memref<1664xi32, #tpu.memory_space<vmem>>) semaphore(%arg8 : memref<!tpu.dma_semaphore, #tpu.memory_space<semaphore_mem>>)
    %dma_wait3A = arith.constant 0 : i32
    %dma_wait3A_12 = tpu.memref_slice %arg2[%dma_wait3A] : memref<425984xi32, #tpu.memory_space<hbm>> -> memref<425984xi32, #tpu.memory_space<hbm>>
    tpu.wait_indirect_dma semaphore(%arg8 : memref<!tpu.dma_semaphore, #tpu.memory_space<semaphore_mem>>) src(%dma_wait3A_12 : memref<425984xi32, #tpu.memory_space<hbm>>) dst(%arg6 : memref<1664xi32, #tpu.memory_space<vmem>>)
    %dma_start3A_13 = arith.constant 0 : i32
    %dma_start3A_14 = arith.constant 0 : i32
    %dma_start3A_15 = arith.constant 0 : i32
    %dma_start3A_16 = tpu.memref_slice %arg7[%dma_start3A_13, %dma_start3A_14, %dma_start3A_15] : memref<2x1664x32xf32, #tpu.memory_space<vmem>> -> memref<1x1664x32xf32, #tpu.memory_space<vmem>>
    %dma_start3A_17 = tpu.memref_squeeze %dma_start3A_16 : memref<1x1664x32xf32, #tpu.memory_space<vmem>> -> memref<1664x32xf32, #tpu.memory_space<vmem>>
    %dma_start3A_18 = arith.constant 0 : i32
    %dma_start3A_19 = arith.constant 0 : i32
    %dma_start3A_20 = tpu.memref_slice %arg3[%dma_start3A_18, %dma_start3A_19] : memref<2800000x32xf32, #tpu.memory_space<hbm>> -> memref<2800000x32xf32, #tpu.memory_space<hbm>>
    tpu.enqueue_indirect_dma source(%dma_start3A_20 : memref<2800000x32xf32, #tpu.memory_space<hbm>>) target(%dma_start3A_17 : memref<1664x32xf32, #tpu.memory_space<vmem>>) offsets(%arg6 : memref<1664xi32, #tpu.memory_space<vmem>>) semaphore(%arg8 : memref<!tpu.dma_semaphore, #tpu.memory_space<semaphore_mem>>)
    %dma_wait3A_21 = arith.constant 0 : i32
    %dma_wait3A_22 = arith.constant 0 : i32
    %dma_wait3A_23 = arith.constant 0 : i32
    %dma_wait3A_24 = tpu.memref_slice %arg7[%dma_wait3A_21, %dma_wait3A_22, %dma_wait3A_23] : memref<2x1664x32xf32, #tpu.memory_space<vmem>> -> memref<1x1664x32xf32, #tpu.memory_space<vmem>>
    %dma_wait3A_25 = tpu.memref_squeeze %dma_wait3A_24 : memref<1x1664x32xf32, #tpu.memory_space<vmem>> -> memref<1664x32xf32, #tpu.memory_space<vmem>>
    %dma_wait3A_26 = arith.constant 0 : i32
    %dma_wait3A_27 = arith.constant 0 : i32
    %dma_wait3A_28 = tpu.memref_slice %arg3[%dma_wait3A_26, %dma_wait3A_27] : memref<2800000x32xf32, #tpu.memory_space<hbm>> -> memref<2800000x32xf32, #tpu.memory_space<hbm>>
    tpu.wait_indirect_dma semaphore(%arg8 : memref<!tpu.dma_semaphore, #tpu.memory_space<semaphore_mem>>) src(%dma_wait3A_28 : memref<2800000x32xf32, #tpu.memory_space<hbm>>) dst(%dma_wait3A_25 : memref<1664x32xf32, #tpu.memory_space<vmem>>)
    %dma_start3A_29 = arith.constant 0 : i32
    %dma_start3A_30 = arith.constant 0 : i32
    %dma_start3A_31 = arith.constant 0 : i32
    %dma_start3A_32 = tpu.memref_slice %arg7[%dma_start3A_29, %dma_start3A_30, %dma_start3A_31] : memref<2x1664x32xf32, #tpu.memory_space<vmem>> -> memref<1x1664x32xf32, #tpu.memory_space<vmem>>
    %dma_start3A_33 = tpu.memref_squeeze %dma_start3A_32 : memref<1x1664x32xf32, #tpu.memory_space<vmem>> -> memref<1664x32xf32, #tpu.memory_space<vmem>>
    %dma_start3A_34 = arith.constant 0 : i32
    %dma_start3A_35 = tpu.memref_slice %arg4[%add3A_4, %dma_start3A_34] : memref<425984x32xf32, #tpu.memory_space<hbm>> -> memref<1664x32xf32, #tpu.memory_space<hbm>>
    %dma_start3A_36 = arith.constant 0 : i32
    %dma_start3A_37 = tpu.memref_slice %arg4[%add3A_4, %dma_start3A_36] : memref<425984x32xf32, #tpu.memory_space<hbm>> -> memref<1664x32xf32, #tpu.memory_space<hbm>>
    %dma_start3A_38 = arith.constant 0 : i32
    %dma_start3A_39 = arith.constant 0 : i32
    %dma_start3A_40 = tpu.memref_slice %arg7[%dma_start3A_29, %dma_start3A_38, %dma_start3A_39] : memref<2x1664x32xf32, #tpu.memory_space<vmem>> -> memref<1x1664x32xf32, #tpu.memory_space<vmem>>
    %dma_start3A_41 = tpu.memref_squeeze %dma_start3A_40 : memref<1x1664x32xf32, #tpu.memory_space<vmem>> -> memref<1664x32xf32, #tpu.memory_space<vmem>>
    tpu.enqueue_dma source(%dma_start3A_41 : memref<1664x32xf32, #tpu.memory_space<vmem>>) target(%dma_start3A_37 : memref<1664x32xf32, #tpu.memory_space<hbm>>) target_semaphore(%arg9 : memref<!tpu.dma_semaphore, #tpu.memory_space<semaphore_mem>>)
    %add3A_42 = arith.constant 1664 : i32
    %add3A_43 = arith.addi %mul3A_2, %add3A_42 : i32
    %scan3A_44 = arith.constant 0 : i32
    %scan3A_45 = arith.constant 0 : i32
    %scan3A_46 = arith.constant 104 : i32
    %scan3A_47 = arith.addi %scan3A_45, %scan3A_46 : i32
    %scan3A_48 = arith.constant 1 : i32
    %scan3A_49 = scf.for %scan3A_440 = %scan3A_45 to %scan3A_47 step %scan3A_48 iter_args(%scan3A_441 = %scan3A_44) -> (i32)  : i32 {
      %mul3A_442 = arith.constant 16 : i32
      %mul3A_443 = arith.muli %scan3A_440, %mul3A_442 : i32
      %add3A_444 = arith.addi %add3A_43, %mul3A_443 : i32
      %add3A_445 = vector.broadcast %add3A_444 : i32 to vector<16xi32>
      %add3A_446 = arith.addi %add3A_445, %iota3A : vector<16xi32>
      %and3A = arith.constant 32767 : i32
      %and3A_447 = vector.broadcast %and3A : i32 to vector<16xi32>
      %and3A_448 = arith.andi %add3A_446, %and3A_447 : vector<16xi32>
      %shift_right_arithmetic3A = arith.constant 2 : i32
      %shift_right_arithmetic3A_449 = vector.broadcast %shift_right_arithmetic3A : i32 to vector<16xi32>
      %shift_right_arithmetic3A_450 = arith.shrsi %and3A_448, %shift_right_arithmetic3A_449 : vector<16xi32>
      %mul3A_451 = arith.constant 52 : i32
      %mul3A_452 = vector.broadcast %mul3A_451 : i32 to vector<16xi32>
      %mul3A_453 = arith.muli %mul3A_452, %shift_right_arithmetic3A_450 : vector<16xi32>
      %shift_right_arithmetic3A_454 = arith.constant 15 : i32
      %shift_right_arithmetic3A_455 = vector.broadcast %shift_right_arithmetic3A_454 : i32 to vector<16xi32>
      %shift_right_arithmetic3A_456 = arith.shrsi %add3A_446, %shift_right_arithmetic3A_455 : vector<16xi32>
      %shift_left3A = arith.constant 2 : i32
      %shift_left3A_457 = vector.broadcast %shift_left3A : i32 to vector<16xi32>
      %shift_left3A_458 = arith.shli %shift_right_arithmetic3A_456, %shift_left3A_457 : vector<16xi32>
      %add3A_459 = arith.addi %mul3A_453, %shift_left3A_458 : vector<16xi32>
      %and3A_460 = arith.constant 3 : i32
      %and3A_461 = vector.broadcast %and3A_460 : i32 to vector<16xi32>
      %and3A_462 = arith.andi %add3A_446, %and3A_461 : vector<16xi32>
      %add3A_463 = arith.addi %add3A_459, %and3A_462 : vector<16xi32>
      %mul3A_464 = arith.constant 16 : i32
      %mul3A_465 = arith.muli %scan3A_440, %mul3A_464 : i32
      %swap3A = arith.index_cast %mul3A_465 : i32 to index
      %swap3A_466 = tpu.vector_load %arg5[%swap3A] {strides = array<i32>} : memref<1664xi32, #tpu.memory_space<vmem>>, vector<16xi32>,
      %swap3A_467 = vector.shape_cast %swap3A_466 : vector<16xi32> to vector<16xi32>
      %swap3A_468 = vector.shape_cast %add3A_463 : vector<16xi32> to vector<16xi32>
      tpu.vector_store %arg5[%swap3A], %swap3A_468 {strides = array<i32>} : memref<1664xi32, #tpu.memory_space<vmem>>, vector<16xi32>,
      %scan3A_469 = arith.constant 0 : i32
      scf.yield %scan3A_469 : i32
    }
    %scan3A_50 = arith.constant 104 : i32
    %dma_start3A_51 = arith.constant 0 : i32
    %dma_start3A_52 = tpu.memref_slice %arg2[%dma_start3A_51] : memref<425984xi32, #tpu.memory_space<hbm>> -> memref<425984xi32, #tpu.memory_space<hbm>>
    tpu.enqueue_indirect_dma source(%dma_start3A_52 : memref<425984xi32, #tpu.memory_space<hbm>>) target(%arg6 : memref<1664xi32, #tpu.memory_space<vmem>>) offsets(%arg5 : memref<1664xi32, #tpu.memory_space<vmem>>) semaphore(%arg8 : memref<!tpu.dma_semaphore, #tpu.memory_space<semaphore_mem>>)
    %dma_wait3A_53 = arith.constant 0 : i32
    %dma_wait3A_54 = tpu.memref_slice %arg2[%dma_wait3A_53] : memref<425984xi32, #tpu.memory_space<hbm>> -> memref<425984xi32, #tpu.memory_space<hbm>>
    tpu.wait_indirect_dma semaphore(%arg8 : memref<!tpu.dma_semaphore, #tpu.memory_space<semaphore_mem>>) src(%dma_wait3A_54 : memref<425984xi32, #tpu.memory_space<hbm>>) dst(%arg6 : memref<1664xi32, #tpu.memory_space<vmem>>)
    %dma_start3A_55 = arith.constant 1 : i32
    %dma_start3A_56 = arith.constant 0 : i32
    %dma_start3A_57 = arith.constant 0 : i32
    %dma_start3A_58 = tpu.memref_slice %arg7[%dma_start3A_55, %dma_start3A_56, %dma_start3A_57] : memref<2x1664x32xf32, #tpu.memory_space<vmem>> -> memref<1x1664x32xf32, #tpu.memory_space<vmem>>
    %dma_start3A_59 = tpu.memref_squeeze %dma_start3A_58 : memref<1x1664x32xf32, #tpu.memory_space<vmem>> -> memref<1664x32xf32, #tpu.memory_space<vmem>>
    %dma_start3A_60 = arith.constant 0 : i32
    %dma_start3A_61 = arith.constant 0 : i32
    %dma_start3A_62 = tpu.memref_slice %arg3[%dma_start3A_60, %dma_start3A_61] : memref<2800000x32xf32, #tpu.memory_space<hbm>> -> memref<2800000x32xf32, #tpu.memory_space<hbm>>
    tpu.enqueue_indirect_dma source(%dma_start3A_62 : memref<2800000x32xf32, #tpu.memory_space<hbm>>) target(%dma_start3A_59 : memref<1664x32xf32, #tpu.memory_space<vmem>>) offsets(%arg6 : memref<1664xi32, #tpu.memory_space<vmem>>) semaphore(%arg8 : memref<!tpu.dma_semaphore, #tpu.memory_space<semaphore_mem>>)
    %dma_wait3A_63 = arith.constant 1 : i32
    %dma_wait3A_64 = arith.constant 0 : i32
    %dma_wait3A_65 = arith.constant 0 : i32
    %dma_wait3A_66 = tpu.memref_slice %arg7[%dma_wait3A_63, %dma_wait3A_64, %dma_wait3A_65] : memref<2x1664x32xf32, #tpu.memory_space<vmem>> -> memref<1x1664x32xf32, #tpu.memory_space<vmem>>
    %dma_wait3A_67 = tpu.memref_squeeze %dma_wait3A_66 : memref<1x1664x32xf32, #tpu.memory_space<vmem>> -> memref<1664x32xf32, #tpu.memory_space<vmem>>
    %dma_wait3A_68 = arith.constant 0 : i32
    %dma_wait3A_69 = arith.constant 0 : i32
    %dma_wait3A_70 = tpu.memref_slice %arg3[%dma_wait3A_68, %dma_wait3A_69] : memref<2800000x32xf32, #tpu.memory_space<hbm>> -> memref<2800000x32xf32, #tpu.memory_space<hbm>>
    tpu.wait_indirect_dma semaphore(%arg8 : memref<!tpu.dma_semaphore, #tpu.memory_space<semaphore_mem>>) src(%dma_wait3A_70 : memref<2800000x32xf32, #tpu.memory_space<hbm>>) dst(%dma_wait3A_67 : memref<1664x32xf32, #tpu.memory_space<vmem>>)
    %dma_start3A_71 = arith.constant 1 : i32
    %dma_start3A_72 = arith.constant 0 : i32
    %dma_start3A_73 = arith.constant 0 : i32
    %dma_start3A_74 = tpu.memref_slice %arg7[%dma_start3A_71, %dma_start3A_72, %dma_start3A_73] : memref<2x1664x32xf32, #tpu.memory_space<vmem>> -> memref<1x1664x32xf32, #tpu.memory_space<vmem>>
    %dma_start3A_75 = tpu.memref_squeeze %dma_start3A_74 : memref<1x1664x32xf32, #tpu.memory_space<vmem>> -> memref<1664x32xf32, #tpu.memory_space<vmem>>
    %dma_start3A_76 = arith.constant 0 : i32
    %dma_start3A_77 = tpu.memref_slice %arg4[%add3A_43, %dma_start3A_76] : memref<425984x32xf32, #tpu.memory_space<hbm>> -> memref<1664x32xf32, #tpu.memory_space<hbm>>
    %dma_start3A_78 = arith.constant 0 : i32
    %dma_start3A_79 = tpu.memref_slice %arg4[%add3A_43, %dma_start3A_78] : memref<425984x32xf32, #tpu.memory_space<hbm>> -> memref<1664x32xf32, #tpu.memory_space<hbm>>
    %dma_start3A_80 = arith.constant 0 : i32
    %dma_start3A_81 = arith.constant 0 : i32
    %dma_start3A_82 = tpu.memref_slice %arg7[%dma_start3A_71, %dma_start3A_80, %dma_start3A_81] : memref<2x1664x32xf32, #tpu.memory_space<vmem>> -> memref<1x1664x32xf32, #tpu.memory_space<vmem>>
    %dma_start3A_83 = tpu.memref_squeeze %dma_start3A_82 : memref<1x1664x32xf32, #tpu.memory_space<vmem>> -> memref<1664x32xf32, #tpu.memory_space<vmem>>
    tpu.enqueue_dma source(%dma_start3A_83 : memref<1664x32xf32, #tpu.memory_space<vmem>>) target(%dma_start3A_79 : memref<1664x32xf32, #tpu.memory_space<hbm>>) target_semaphore(%arg10 : memref<!tpu.dma_semaphore, #tpu.memory_space<semaphore_mem>>)
    %add3A_84 = arith.constant 3328 : i32
    %add3A_85 = arith.addi %mul3A_2, %add3A_84 : i32
    %scan3A_86 = arith.constant 0 : i32
    %scan3A_87 = arith.constant 0 : i32
    %scan3A_88 = arith.constant 104 : i32
    %scan3A_89 = arith.addi %scan3A_87, %scan3A_88 : i32
    %scan3A_90 = arith.constant 1 : i32
    %scan3A_91 = scf.for %scan3A_440 = %scan3A_87 to %scan3A_89 step %scan3A_90 iter_args(%scan3A_441 = %scan3A_86) -> (i32)  : i32 {
      %mul3A_442 = arith.constant 16 : i32
      %mul3A_443 = arith.muli %scan3A_440, %mul3A_442 : i32
      %add3A_444 = arith.addi %add3A_85, %mul3A_443 : i32
      %add3A_445 = vector.broadcast %add3A_444 : i32 to vector<16xi32>
      %add3A_446 = arith.addi %add3A_445, %iota3A : vector<16xi32>
      %and3A = arith.constant 32767 : i32
      %and3A_447 = vector.broadcast %and3A : i32 to vector<16xi32>
      %and3A_448 = arith.andi %add3A_446, %and3A_447 : vector<16xi32>
      %shift_right_arithmetic3A = arith.constant 2 : i32
      %shift_right_arithmetic3A_449 = vector.broadcast %shift_right_arithmetic3A : i32 to vector<16xi32>
      %shift_right_arithmetic3A_450 = arith.shrsi %and3A_448, %shift_right_arithmetic3A_449 : vector<16xi32>
      %mul3A_451 = arith.constant 52 : i32
      %mul3A_452 = vector.broadcast %mul3A_451 : i32 to vector<16xi32>
      %mul3A_453 = arith.muli %mul3A_452, %shift_right_arithmetic3A_450 : vector<16xi32>
      %shift_right_arithmetic3A_454 = arith.constant 15 : i32
      %shift_right_arithmetic3A_455 = vector.broadcast %shift_right_arithmetic3A_454 : i32 to vector<16xi32>
      %shift_right_arithmetic3A_456 = arith.shrsi %add3A_446, %shift_right_arithmetic3A_455 : vector<16xi32>
      %shift_left3A = arith.constant 2 : i32
      %shift_left3A_457 = vector.broadcast %shift_left3A : i32 to vector<16xi32>
      %shift_left3A_458 = arith.shli %shift_right_arithmetic3A_456, %shift_left3A_457 : vector<16xi32>
      %add3A_459 = arith.addi %mul3A_453, %shift_left3A_458 : vector<16xi32>
      %and3A_460 = arith.constant 3 : i32
      %and3A_461 = vector.broadcast %and3A_460 : i32 to vector<16xi32>
      %and3A_462 = arith.andi %add3A_446, %and3A_461 : vector<16xi32>
      %add3A_463 = arith.addi %add3A_459, %and3A_462 : vector<16xi32>
      %mul3A_464 = arith.constant 16 : i32
      %mul3A_465 = arith.muli %scan3A_440, %mul3A_464 : i32
      %swap3A = arith.index_cast %mul3A_465 : i32 to index
      %swap3A_466 = tpu.vector_load %arg5[%swap3A] {strides = array<i32>} : memref<1664xi32, #tpu.memory_space<vmem>>, vector<16xi32>,
      %swap3A_467 = vector.shape_cast %swap3A_466 : vector<16xi32> to vector<16xi32>
      %swap3A_468 = vector.shape_cast %add3A_463 : vector<16xi32> to vector<16xi32>
      tpu.vector_store %arg5[%swap3A], %swap3A_468 {strides = array<i32>} : memref<1664xi32, #tpu.memory_space<vmem>>, vector<16xi32>,
      %scan3A_469 = arith.constant 0 : i32
      scf.yield %scan3A_469 : i32
    }
    %scan3A_92 = arith.constant 104 : i32
    %dma_start3A_93 = arith.constant 0 : i32
    %dma_start3A_94 = tpu.memref_slice %arg2[%dma_start3A_93] : memref<425984xi32, #tpu.memory_space<hbm>> -> memref<425984xi32, #tpu.memory_space<hbm>>
    tpu.enqueue_indirect_dma source(%dma_start3A_94 : memref<425984xi32, #tpu.memory_space<hbm>>) target(%arg6 : memref<1664xi32, #tpu.memory_space<vmem>>) offsets(%arg5 : memref<1664xi32, #tpu.memory_space<vmem>>) semaphore(%arg8 : memref<!tpu.dma_semaphore, #tpu.memory_space<semaphore_mem>>)
    %dma_wait3A_95 = arith.constant 0 : i32
    %dma_wait3A_96 = tpu.memref_slice %arg2[%dma_wait3A_95] : memref<425984xi32, #tpu.memory_space<hbm>> -> memref<425984xi32, #tpu.memory_space<hbm>>
    tpu.wait_indirect_dma semaphore(%arg8 : memref<!tpu.dma_semaphore, #tpu.memory_space<semaphore_mem>>) src(%dma_wait3A_96 : memref<425984xi32, #tpu.memory_space<hbm>>) dst(%arg6 : memref<1664xi32, #tpu.memory_space<vmem>>)
    %dma_wait3A_97 = arith.constant 0 : i32
    %dma_wait3A_98 = arith.constant 0 : i32
    %dma_wait3A_99 = arith.constant 0 : i32
    %dma_wait3A_100 = tpu.memref_slice %arg7[%dma_wait3A_97, %dma_wait3A_98, %dma_wait3A_99] : memref<2x1664x32xf32, #tpu.memory_space<vmem>> -> memref<1x1664x32xf32, #tpu.memory_space<vmem>>
    %dma_wait3A_101 = tpu.memref_squeeze %dma_wait3A_100 : memref<1x1664x32xf32, #tpu.memory_space<vmem>> -> memref<1664x32xf32, #tpu.memory_space<vmem>>
    %dma_wait3A_102 = arith.constant 0 : i32
    %dma_wait3A_103 = tpu.memref_slice %arg4[%add3A_4, %dma_wait3A_102] : memref<425984x32xf32, #tpu.memory_space<hbm>> -> memref<1664x32xf32, #tpu.memory_space<hbm>>
    %dma_wait3A_104 = arith.constant 0 : i32
    %dma_wait3A_105 = tpu.memref_slice %arg4[%add3A_4, %dma_wait3A_104] : memref<425984x32xf32, #tpu.memory_space<hbm>> -> memref<1664x32xf32, #tpu.memory_space<hbm>>
    %dma_wait3A_106 = arith.constant 0 : i32
    %dma_wait3A_107 = arith.constant 0 : i32
    %dma_wait3A_108 = tpu.memref_slice %arg7[%dma_wait3A_97, %dma_wait3A_106, %dma_wait3A_107] : memref<2x1664x32xf32, #tpu.memory_space<vmem>> -> memref<1x1664x32xf32, #tpu.memory_space<vmem>>
    %dma_wait3A_109 = tpu.memref_squeeze %dma_wait3A_108 : memref<1x1664x32xf32, #tpu.memory_space<vmem>> -> memref<1664x32xf32, #tpu.memory_space<vmem>>
    tpu.wait_dma2 semaphore(%arg9 : memref<!tpu.dma_semaphore, #tpu.memory_space<semaphore_mem>>) src(%dma_wait3A_109 : memref<1664x32xf32, #tpu.memory_space<vmem>>) dst(%dma_wait3A_105 : memref<1664x32xf32, #tpu.memory_space<hbm>>)
    %dma_start3A_110 = arith.constant 0 : i32
    %dma_start3A_111 = arith.constant 0 : i32
    %dma_start3A_112 = arith.constant 0 : i32
    %dma_start3A_113 = tpu.memref_slice %arg7[%dma_start3A_110, %dma_start3A_111, %dma_start3A_112] : memref<2x1664x32xf32, #tpu.memory_space<vmem>> -> memref<1x1664x32xf32, #tpu.memory_space<vmem>>
    %dma_start3A_114 = tpu.memref_squeeze %dma_start3A_113 : memref<1x1664x32xf32, #tpu.memory_space<vmem>> -> memref<1664x32xf32, #tpu.memory_space<vmem>>
    %dma_start3A_115 = arith.constant 0 : i32
    %dma_start3A_116 = arith.constant 0 : i32
    %dma_start3A_117 = tpu.memref_slice %arg3[%dma_start3A_115, %dma_start3A_116] : memref<2800000x32xf32, #tpu.memory_space<hbm>> -> memref<2800000x32xf32, #tpu.memory_space<hbm>>
    tpu.enqueue_indirect_dma source(%dma_start3A_117 : memref<2800000x32xf32, #tpu.memory_space<hbm>>) target(%dma_start3A_114 : memref<1664x32xf32, #tpu.memory_space<vmem>>) offsets(%arg6 : memref<1664xi32, #tpu.memory_space<vmem>>) semaphore(%arg8 : memref<!tpu.dma_semaphore, #tpu.memory_space<semaphore_mem>>)
    %dma_wait3A_118 = arith.constant 0 : i32
    %dma_wait3A_119 = arith.constant 0 : i32
    %dma_wait3A_120 = arith.constant 0 : i32
    %dma_wait3A_121 = tpu.memref_slice %arg7[%dma_wait3A_118, %dma_wait3A_119, %dma_wait3A_120] : memref<2x1664x32xf32, #tpu.memory_space<vmem>> -> memref<1x1664x32xf32, #tpu.memory_space<vmem>>
    %dma_wait3A_122 = tpu.memref_squeeze %dma_wait3A_121 : memref<1x1664x32xf32, #tpu.memory_space<vmem>> -> memref<1664x32xf32, #tpu.memory_space<vmem>>
    %dma_wait3A_123 = arith.constant 0 : i32
    %dma_wait3A_124 = arith.constant 0 : i32
    %dma_wait3A_125 = tpu.memref_slice %arg3[%dma_wait3A_123, %dma_wait3A_124] : memref<2800000x32xf32, #tpu.memory_space<hbm>> -> memref<2800000x32xf32, #tpu.memory_space<hbm>>
    tpu.wait_indirect_dma semaphore(%arg8 : memref<!tpu.dma_semaphore, #tpu.memory_space<semaphore_mem>>) src(%dma_wait3A_125 : memref<2800000x32xf32, #tpu.memory_space<hbm>>) dst(%dma_wait3A_122 : memref<1664x32xf32, #tpu.memory_space<vmem>>)
    %dma_start3A_126 = arith.constant 0 : i32
    %dma_start3A_127 = arith.constant 0 : i32
    %dma_start3A_128 = arith.constant 0 : i32
    %dma_start3A_129 = tpu.memref_slice %arg7[%dma_start3A_126, %dma_start3A_127, %dma_start3A_128] : memref<2x1664x32xf32, #tpu.memory_space<vmem>> -> memref<1x1664x32xf32, #tpu.memory_space<vmem>>
    %dma_start3A_130 = tpu.memref_squeeze %dma_start3A_129 : memref<1x1664x32xf32, #tpu.memory_space<vmem>> -> memref<1664x32xf32, #tpu.memory_space<vmem>>
    %dma_start3A_131 = arith.constant 0 : i32
    %dma_start3A_132 = tpu.memref_slice %arg4[%add3A_85, %dma_start3A_131] : memref<425984x32xf32, #tpu.memory_space<hbm>> -> memref<1664x32xf32, #tpu.memory_space<hbm>>
    %dma_start3A_133 = arith.constant 0 : i32
    %dma_start3A_134 = tpu.memref_slice %arg4[%add3A_85, %dma_start3A_133] : memref<425984x32xf32, #tpu.memory_space<hbm>> -> memref<1664x32xf32, #tpu.memory_space<hbm>>
    %dma_start3A_135 = arith.constant 0 : i32
    %dma_start3A_136 = arith.constant 0 : i32
    %dma_start3A_137 = tpu.memref_slice %arg7[%dma_start3A_126, %dma_start3A_135, %dma_start3A_136] : memref<2x1664x32xf32, #tpu.memory_space<vmem>> -> memref<1x1664x32xf32, #tpu.memory_space<vmem>>
    %dma_start3A_138 = tpu.memref_squeeze %dma_start3A_137 : memref<1x1664x32xf32, #tpu.memory_space<vmem>> -> memref<1664x32xf32, #tpu.memory_space<vmem>>
    tpu.enqueue_dma source(%dma_start3A_138 : memref<1664x32xf32, #tpu.memory_space<vmem>>) target(%dma_start3A_134 : memref<1664x32xf32, #tpu.memory_space<hbm>>) target_semaphore(%arg9 : memref<!tpu.dma_semaphore, #tpu.memory_space<semaphore_mem>>)
    %add3A_139 = arith.constant 4992 : i32
    %add3A_140 = arith.addi %mul3A_2, %add3A_139 : i32
    %scan3A_141 = arith.constant 0 : i32
    %scan3A_142 = arith.constant 0 : i32
    %scan3A_143 = arith.constant 104 : i32
    %scan3A_144 = arith.addi %scan3A_142, %scan3A_143 : i32
    %scan3A_145 = arith.constant 1 : i32
    %scan3A_146 = scf.for %scan3A_440 = %scan3A_142 to %scan3A_144 step %scan3A_145 iter_args(%scan3A_441 = %scan3A_141) -> (i32)  : i32 {
      %mul3A_442 = arith.constant 16 : i32
      %mul3A_443 = arith.muli %scan3A_440, %mul3A_442 : i32
      %add3A_444 = arith.addi %add3A_140, %mul3A_443 : i32
      %add3A_445 = vector.broadcast %add3A_444 : i32 to vector<16xi32>
      %add3A_446 = arith.addi %add3A_445, %iota3A : vector<16xi32>
      %and3A = arith.constant 32767 : i32
      %and3A_447 = vector.broadcast %and3A : i32 to vector<16xi32>
      %and3A_448 = arith.andi %add3A_446, %and3A_447 : vector<16xi32>
      %shift_right_arithmetic3A = arith.constant 2 : i32
      %shift_right_arithmetic3A_449 = vector.broadcast %shift_right_arithmetic3A : i32 to vector<16xi32>
      %shift_right_arithmetic3A_450 = arith.shrsi %and3A_448, %shift_right_arithmetic3A_449 : vector<16xi32>
      %mul3A_451 = arith.constant 52 : i32
      %mul3A_452 = vector.broadcast %mul3A_451 : i32 to vector<16xi32>
      %mul3A_453 = arith.muli %mul3A_452, %shift_right_arithmetic3A_450 : vector<16xi32>
      %shift_right_arithmetic3A_454 = arith.constant 15 : i32
      %shift_right_arithmetic3A_455 = vector.broadcast %shift_right_arithmetic3A_454 : i32 to vector<16xi32>
      %shift_right_arithmetic3A_456 = arith.shrsi %add3A_446, %shift_right_arithmetic3A_455 : vector<16xi32>
      %shift_left3A = arith.constant 2 : i32
      %shift_left3A_457 = vector.broadcast %shift_left3A : i32 to vector<16xi32>
      %shift_left3A_458 = arith.shli %shift_right_arithmetic3A_456, %shift_left3A_457 : vector<16xi32>
      %add3A_459 = arith.addi %mul3A_453, %shift_left3A_458 : vector<16xi32>
      %and3A_460 = arith.constant 3 : i32
      %and3A_461 = vector.broadcast %and3A_460 : i32 to vector<16xi32>
      %and3A_462 = arith.andi %add3A_446, %and3A_461 : vector<16xi32>
      %add3A_463 = arith.addi %add3A_459, %and3A_462 : vector<16xi32>
      %mul3A_464 = arith.constant 16 : i32
      %mul3A_465 = arith.muli %scan3A_440, %mul3A_464 : i32
      %swap3A = arith.index_cast %mul3A_465 : i32 to index
      %swap3A_466 = tpu.vector_load %arg5[%swap3A] {strides = array<i32>} : memref<1664xi32, #tpu.memory_space<vmem>>, vector<16xi32>,
      %swap3A_467 = vector.shape_cast %swap3A_466 : vector<16xi32> to vector<16xi32>
      %swap3A_468 = vector.shape_cast %add3A_463 : vector<16xi32> to vector<16xi32>
      tpu.vector_store %arg5[%swap3A], %swap3A_468 {strides = array<i32>} : memref<1664xi32, #tpu.memory_space<vmem>>, vector<16xi32>,
      %scan3A_469 = arith.constant 0 : i32
      scf.yield %scan3A_469 : i32
    }
    %scan3A_147 = arith.constant 104 : i32
    %dma_start3A_148 = arith.constant 0 : i32
    %dma_start3A_149 = tpu.memref_slice %arg2[%dma_start3A_148] : memref<425984xi32, #tpu.memory_space<hbm>> -> memref<425984xi32, #tpu.memory_space<hbm>>
    tpu.enqueue_indirect_dma source(%dma_start3A_149 : memref<425984xi32, #tpu.memory_space<hbm>>) target(%arg6 : memref<1664xi32, #tpu.memory_space<vmem>>) offsets(%arg5 : memref<1664xi32, #tpu.memory_space<vmem>>) semaphore(%arg8 : memref<!tpu.dma_semaphore, #tpu.memory_space<semaphore_mem>>)
    %dma_wait3A_150 = arith.constant 0 : i32
    %dma_wait3A_151 = tpu.memref_slice %arg2[%dma_wait3A_150] : memref<425984xi32, #tpu.memory_space<hbm>> -> memref<425984xi32, #tpu.memory_space<hbm>>
    tpu.wait_indirect_dma semaphore(%arg8 : memref<!tpu.dma_semaphore, #tpu.memory_space<semaphore_mem>>) src(%dma_wait3A_151 : memref<425984xi32, #tpu.memory_space<hbm>>) dst(%arg6 : memref<1664xi32, #tpu.memory_space<vmem>>)
    %dma_wait3A_152 = arith.constant 1 : i32
    %dma_wait3A_153 = arith.constant 0 : i32
    %dma_wait3A_154 = arith.constant 0 : i32
    %dma_wait3A_155 = tpu.memref_slice %arg7[%dma_wait3A_152, %dma_wait3A_153, %dma_wait3A_154] : memref<2x1664x32xf32, #tpu.memory_space<vmem>> -> memref<1x1664x32xf32, #tpu.memory_space<vmem>>
    %dma_wait3A_156 = tpu.memref_squeeze %dma_wait3A_155 : memref<1x1664x32xf32, #tpu.memory_space<vmem>> -> memref<1664x32xf32, #tpu.memory_space<vmem>>
    %dma_wait3A_157 = arith.constant 0 : i32
    %dma_wait3A_158 = tpu.memref_slice %arg4[%add3A_43, %dma_wait3A_157] : memref<425984x32xf32, #tpu.memory_space<hbm>> -> memref<1664x32xf32, #tpu.memory_space<hbm>>
    %dma_wait3A_159 = arith.constant 0 : i32
    %dma_wait3A_160 = tpu.memref_slice %arg4[%add3A_43, %dma_wait3A_159] : memref<425984x32xf32, #tpu.memory_space<hbm>> -> memref<1664x32xf32, #tpu.memory_space<hbm>>
    %dma_wait3A_161 = arith.constant 0 : i32
    %dma_wait3A_162 = arith.constant 0 : i32
    %dma_wait3A_163 = tpu.memref_slice %arg7[%dma_wait3A_152, %dma_wait3A_161, %dma_wait3A_162] : memref<2x1664x32xf32, #tpu.memory_space<vmem>> -> memref<1x1664x32xf32, #tpu.memory_space<vmem>>
    %dma_wait3A_164 = tpu.memref_squeeze %dma_wait3A_163 : memref<1x1664x32xf32, #tpu.memory_space<vmem>> -> memref<1664x32xf32, #tpu.memory_space<vmem>>
    tpu.wait_dma2 semaphore(%arg10 : memref<!tpu.dma_semaphore, #tpu.memory_space<semaphore_mem>>) src(%dma_wait3A_164 : memref<1664x32xf32, #tpu.memory_space<vmem>>) dst(%dma_wait3A_160 : memref<1664x32xf32, #tpu.memory_space<hbm>>)
    %dma_start3A_165 = arith.constant 1 : i32
    %dma_start3A_166 = arith.constant 0 : i32
    %dma_start3A_167 = arith.constant 0 : i32
    %dma_start3A_168 = tpu.memref_slice %arg7[%dma_start3A_165, %dma_start3A_166, %dma_start3A_167] : memref<2x1664x32xf32, #tpu.memory_space<vmem>> -> memref<1x1664x32xf32, #tpu.memory_space<vmem>>
    %dma_start3A_169 = tpu.memref_squeeze %dma_start3A_168 : memref<1x1664x32xf32, #tpu.memory_space<vmem>> -> memref<1664x32xf32, #tpu.memory_space<vmem>>
    %dma_start3A_170 = arith.constant 0 : i32
    %dma_start3A_171 = arith.constant 0 : i32
    %dma_start3A_172 = tpu.memref_slice %arg3[%dma_start3A_170, %dma_start3A_171] : memref<2800000x32xf32, #tpu.memory_space<hbm>> -> memref<2800000x32xf32, #tpu.memory_space<hbm>>
    tpu.enqueue_indirect_dma source(%dma_start3A_172 : memref<2800000x32xf32, #tpu.memory_space<hbm>>) target(%dma_start3A_169 : memref<1664x32xf32, #tpu.memory_space<vmem>>) offsets(%arg6 : memref<1664xi32, #tpu.memory_space<vmem>>) semaphore(%arg8 : memref<!tpu.dma_semaphore, #tpu.memory_space<semaphore_mem>>)
    %dma_wait3A_173 = arith.constant 1 : i32
    %dma_wait3A_174 = arith.constant 0 : i32
    %dma_wait3A_175 = arith.constant 0 : i32
    %dma_wait3A_176 = tpu.memref_slice %arg7[%dma_wait3A_173, %dma_wait3A_174, %dma_wait3A_175] : memref<2x1664x32xf32, #tpu.memory_space<vmem>> -> memref<1x1664x32xf32, #tpu.memory_space<vmem>>
    %dma_wait3A_177 = tpu.memref_squeeze %dma_wait3A_176 : memref<1x1664x32xf32, #tpu.memory_space<vmem>> -> memref<1664x32xf32, #tpu.memory_space<vmem>>
    %dma_wait3A_178 = arith.constant 0 : i32
    %dma_wait3A_179 = arith.constant 0 : i32
    %dma_wait3A_180 = tpu.memref_slice %arg3[%dma_wait3A_178, %dma_wait3A_179] : memref<2800000x32xf32, #tpu.memory_space<hbm>> -> memref<2800000x32xf32, #tpu.memory_space<hbm>>
    tpu.wait_indirect_dma semaphore(%arg8 : memref<!tpu.dma_semaphore, #tpu.memory_space<semaphore_mem>>) src(%dma_wait3A_180 : memref<2800000x32xf32, #tpu.memory_space<hbm>>) dst(%dma_wait3A_177 : memref<1664x32xf32, #tpu.memory_space<vmem>>)
    %dma_start3A_181 = arith.constant 1 : i32
    %dma_start3A_182 = arith.constant 0 : i32
    %dma_start3A_183 = arith.constant 0 : i32
    %dma_start3A_184 = tpu.memref_slice %arg7[%dma_start3A_181, %dma_start3A_182, %dma_start3A_183] : memref<2x1664x32xf32, #tpu.memory_space<vmem>> -> memref<1x1664x32xf32, #tpu.memory_space<vmem>>
    %dma_start3A_185 = tpu.memref_squeeze %dma_start3A_184 : memref<1x1664x32xf32, #tpu.memory_space<vmem>> -> memref<1664x32xf32, #tpu.memory_space<vmem>>
    %dma_start3A_186 = arith.constant 0 : i32
    %dma_start3A_187 = tpu.memref_slice %arg4[%add3A_140, %dma_start3A_186] : memref<425984x32xf32, #tpu.memory_space<hbm>> -> memref<1664x32xf32, #tpu.memory_space<hbm>>
    %dma_start3A_188 = arith.constant 0 : i32
    %dma_start3A_189 = tpu.memref_slice %arg4[%add3A_140, %dma_start3A_188] : memref<425984x32xf32, #tpu.memory_space<hbm>> -> memref<1664x32xf32, #tpu.memory_space<hbm>>
    %dma_start3A_190 = arith.constant 0 : i32
    %dma_start3A_191 = arith.constant 0 : i32
    %dma_start3A_192 = tpu.memref_slice %arg7[%dma_start3A_181, %dma_start3A_190, %dma_start3A_191] : memref<2x1664x32xf32, #tpu.memory_space<vmem>> -> memref<1x1664x32xf32, #tpu.memory_space<vmem>>
    %dma_start3A_193 = tpu.memref_squeeze %dma_start3A_192 : memref<1x1664x32xf32, #tpu.memory_space<vmem>> -> memref<1664x32xf32, #tpu.memory_space<vmem>>
    tpu.enqueue_dma source(%dma_start3A_193 : memref<1664x32xf32, #tpu.memory_space<vmem>>) target(%dma_start3A_189 : memref<1664x32xf32, #tpu.memory_space<hbm>>) target_semaphore(%arg10 : memref<!tpu.dma_semaphore, #tpu.memory_space<semaphore_mem>>)
    %add3A_194 = arith.constant 6656 : i32
    %add3A_195 = arith.addi %mul3A_2, %add3A_194 : i32
    %scan3A_196 = arith.constant 0 : i32
    %scan3A_197 = arith.constant 0 : i32
    %scan3A_198 = arith.constant 104 : i32
    %scan3A_199 = arith.addi %scan3A_197, %scan3A_198 : i32
    %scan3A_200 = arith.constant 1 : i32
    %scan3A_201 = scf.for %scan3A_440 = %scan3A_197 to %scan3A_199 step %scan3A_200 iter_args(%scan3A_441 = %scan3A_196) -> (i32)  : i32 {
      %mul3A_442 = arith.constant 16 : i32
      %mul3A_443 = arith.muli %scan3A_440, %mul3A_442 : i32
      %add3A_444 = arith.addi %add3A_195, %mul3A_443 : i32
      %add3A_445 = vector.broadcast %add3A_444 : i32 to vector<16xi32>
      %add3A_446 = arith.addi %add3A_445, %iota3A : vector<16xi32>
      %and3A = arith.constant 32767 : i32
      %and3A_447 = vector.broadcast %and3A : i32 to vector<16xi32>
      %and3A_448 = arith.andi %add3A_446, %and3A_447 : vector<16xi32>
      %shift_right_arithmetic3A = arith.constant 2 : i32
      %shift_right_arithmetic3A_449 = vector.broadcast %shift_right_arithmetic3A : i32 to vector<16xi32>
      %shift_right_arithmetic3A_450 = arith.shrsi %and3A_448, %shift_right_arithmetic3A_449 : vector<16xi32>
      %mul3A_451 = arith.constant 52 : i32
      %mul3A_452 = vector.broadcast %mul3A_451 : i32 to vector<16xi32>
      %mul3A_453 = arith.muli %mul3A_452, %shift_right_arithmetic3A_450 : vector<16xi32>
      %shift_right_arithmetic3A_454 = arith.constant 15 : i32
      %shift_right_arithmetic3A_455 = vector.broadcast %shift_right_arithmetic3A_454 : i32 to vector<16xi32>
      %shift_right_arithmetic3A_456 = arith.shrsi %add3A_446, %shift_right_arithmetic3A_455 : vector<16xi32>
      %shift_left3A = arith.constant 2 : i32
      %shift_left3A_457 = vector.broadcast %shift_left3A : i32 to vector<16xi32>
      %shift_left3A_458 = arith.shli %shift_right_arithmetic3A_456, %shift_left3A_457 : vector<16xi32>
      %add3A_459 = arith.addi %mul3A_453, %shift_left3A_458 : vector<16xi32>
      %and3A_460 = arith.constant 3 : i32
      %and3A_461 = vector.broadcast %and3A_460 : i32 to vector<16xi32>
      %and3A_462 = arith.andi %add3A_446, %and3A_461 : vector<16xi32>
      %add3A_463 = arith.addi %add3A_459, %and3A_462 : vector<16xi32>
      %mul3A_464 = arith.constant 16 : i32
      %mul3A_465 = arith.muli %scan3A_440, %mul3A_464 : i32
      %swap3A = arith.index_cast %mul3A_465 : i32 to index
      %swap3A_466 = tpu.vector_load %arg5[%swap3A] {strides = array<i32>} : memref<1664xi32, #tpu.memory_space<vmem>>, vector<16xi32>,
      %swap3A_467 = vector.shape_cast %swap3A_466 : vector<16xi32> to vector<16xi32>
      %swap3A_468 = vector.shape_cast %add3A_463 : vector<16xi32> to vector<16xi32>
      tpu.vector_store %arg5[%swap3A], %swap3A_468 {strides = array<i32>} : memref<1664xi32, #tpu.memory_space<vmem>>, vector<16xi32>,
      %scan3A_469 = arith.constant 0 : i32
      scf.yield %scan3A_469 : i32
    }
    %scan3A_202 = arith.constant 104 : i32
    %dma_start3A_203 = arith.constant 0 : i32
    %dma_start3A_204 = tpu.memref_slice %arg2[%dma_start3A_203] : memref<425984xi32, #tpu.memory_space<hbm>> -> memref<425984xi32, #tpu.memory_space<hbm>>
    tpu.enqueue_indirect_dma source(%dma_start3A_204 : memref<425984xi32, #tpu.memory_space<hbm>>) target(%arg6 : memref<1664xi32, #tpu.memory_space<vmem>>) offsets(%arg5 : memref<1664xi32, #tpu.memory_space<vmem>>) semaphore(%arg8 : memref<!tpu.dma_semaphore, #tpu.memory_space<semaphore_mem>>)
    %dma_wait3A_205 = arith.constant 0 : i32
    %dma_wait3A_206 = tpu.memref_slice %arg2[%dma_wait3A_205] : memref<425984xi32, #tpu.memory_space<hbm>> -> memref<425984xi32, #tpu.memory_space<hbm>>
    tpu.wait_indirect_dma semaphore(%arg8 : memref<!tpu.dma_semaphore, #tpu.memory_space<semaphore_mem>>) src(%dma_wait3A_206 : memref<425984xi32, #tpu.memory_space<hbm>>) dst(%arg6 : memref<1664xi32, #tpu.memory_space<vmem>>)
    %dma_wait3A_207 = arith.constant 0 : i32
    %dma_wait3A_208 = arith.constant 0 : i32
    %dma_wait3A_209 = arith.constant 0 : i32
    %dma_wait3A_210 = tpu.memref_slice %arg7[%dma_wait3A_207, %dma_wait3A_208, %dma_wait3A_209] : memref<2x1664x32xf32, #tpu.memory_space<vmem>> -> memref<1x1664x32xf32, #tpu.memory_space<vmem>>
    %dma_wait3A_211 = tpu.memref_squeeze %dma_wait3A_210 : memref<1x1664x32xf32, #tpu.memory_space<vmem>> -> memref<1664x32xf32, #tpu.memory_space<vmem>>
    %dma_wait3A_212 = arith.constant 0 : i32
    %dma_wait3A_213 = tpu.memref_slice %arg4[%add3A_85, %dma_wait3A_212] : memref<425984x32xf32, #tpu.memory_space<hbm>> -> memref<1664x32xf32, #tpu.memory_space<hbm>>
    %dma_wait3A_214 = arith.constant 0 : i32
    %dma_wait3A_215 = tpu.memref_slice %arg4[%add3A_85, %dma_wait3A_214] : memref<425984x32xf32, #tpu.memory_space<hbm>> -> memref<1664x32xf32, #tpu.memory_space<hbm>>
    %dma_wait3A_216 = arith.constant 0 : i32
    %dma_wait3A_217 = arith.constant 0 : i32
    %dma_wait3A_218 = tpu.memref_slice %arg7[%dma_wait3A_207, %dma_wait3A_216, %dma_wait3A_217] : memref<2x1664x32xf32, #tpu.memory_space<vmem>> -> memref<1x1664x32xf32, #tpu.memory_space<vmem>>
    %dma_wait3A_219 = tpu.memref_squeeze %dma_wait3A_218 : memref<1x1664x32xf32, #tpu.memory_space<vmem>> -> memref<1664x32xf32, #tpu.memory_space<vmem>>
    tpu.wait_dma2 semaphore(%arg9 : memref<!tpu.dma_semaphore, #tpu.memory_space<semaphore_mem>>) src(%dma_wait3A_219 : memref<1664x32xf32, #tpu.memory_space<vmem>>) dst(%dma_wait3A_215 : memref<1664x32xf32, #tpu.memory_space<hbm>>)
    %dma_start3A_220 = arith.constant 0 : i32
    %dma_start3A_221 = arith.constant 0 : i32
    %dma_start3A_222 = arith.constant 0 : i32
    %dma_start3A_223 = tpu.memref_slice %arg7[%dma_start3A_220, %dma_start3A_221, %dma_start3A_222] : memref<2x1664x32xf32, #tpu.memory_space<vmem>> -> memref<1x1664x32xf32, #tpu.memory_space<vmem>>
    %dma_start3A_224 = tpu.memref_squeeze %dma_start3A_223 : memref<1x1664x32xf32, #tpu.memory_space<vmem>> -> memref<1664x32xf32, #tpu.memory_space<vmem>>
    %dma_start3A_225 = arith.constant 0 : i32
    %dma_start3A_226 = arith.constant 0 : i32
    %dma_start3A_227 = tpu.memref_slice %arg3[%dma_start3A_225, %dma_start3A_226] : memref<2800000x32xf32, #tpu.memory_space<hbm>> -> memref<2800000x32xf32, #tpu.memory_space<hbm>>
    tpu.enqueue_indirect_dma source(%dma_start3A_227 : memref<2800000x32xf32, #tpu.memory_space<hbm>>) target(%dma_start3A_224 : memref<1664x32xf32, #tpu.memory_space<vmem>>) offsets(%arg6 : memref<1664xi32, #tpu.memory_space<vmem>>) semaphore(%arg8 : memref<!tpu.dma_semaphore, #tpu.memory_space<semaphore_mem>>)
    %dma_wait3A_228 = arith.constant 0 : i32
    %dma_wait3A_229 = arith.constant 0 : i32
    %dma_wait3A_230 = arith.constant 0 : i32
    %dma_wait3A_231 = tpu.memref_slice %arg7[%dma_wait3A_228, %dma_wait3A_229, %dma_wait3A_230] : memref<2x1664x32xf32, #tpu.memory_space<vmem>> -> memref<1x1664x32xf32, #tpu.memory_space<vmem>>
    %dma_wait3A_232 = tpu.memref_squeeze %dma_wait3A_231 : memref<1x1664x32xf32, #tpu.memory_space<vmem>> -> memref<1664x32xf32, #tpu.memory_space<vmem>>
    %dma_wait3A_233 = arith.constant 0 : i32
    %dma_wait3A_234 = arith.constant 0 : i32
    %dma_wait3A_235 = tpu.memref_slice %arg3[%dma_wait3A_233, %dma_wait3A_234] : memref<2800000x32xf32, #tpu.memory_space<hbm>> -> memref<2800000x32xf32, #tpu.memory_space<hbm>>
    tpu.wait_indirect_dma semaphore(%arg8 : memref<!tpu.dma_semaphore, #tpu.memory_space<semaphore_mem>>) src(%dma_wait3A_235 : memref<2800000x32xf32, #tpu.memory_space<hbm>>) dst(%dma_wait3A_232 : memref<1664x32xf32, #tpu.memory_space<vmem>>)
    %dma_start3A_236 = arith.constant 0 : i32
    %dma_start3A_237 = arith.constant 0 : i32
    %dma_start3A_238 = arith.constant 0 : i32
    %dma_start3A_239 = tpu.memref_slice %arg7[%dma_start3A_236, %dma_start3A_237, %dma_start3A_238] : memref<2x1664x32xf32, #tpu.memory_space<vmem>> -> memref<1x1664x32xf32, #tpu.memory_space<vmem>>
    %dma_start3A_240 = tpu.memref_squeeze %dma_start3A_239 : memref<1x1664x32xf32, #tpu.memory_space<vmem>> -> memref<1664x32xf32, #tpu.memory_space<vmem>>
    %dma_start3A_241 = arith.constant 0 : i32
    %dma_start3A_242 = tpu.memref_slice %arg4[%add3A_195, %dma_start3A_241] : memref<425984x32xf32, #tpu.memory_space<hbm>> -> memref<1664x32xf32, #tpu.memory_space<hbm>>
    %dma_start3A_243 = arith.constant 0 : i32
    %dma_start3A_244 = tpu.memref_slice %arg4[%add3A_195, %dma_start3A_243] : memref<425984x32xf32, #tpu.memory_space<hbm>> -> memref<1664x32xf32, #tpu.memory_space<hbm>>
    %dma_start3A_245 = arith.constant 0 : i32
    %dma_start3A_246 = arith.constant 0 : i32
    %dma_start3A_247 = tpu.memref_slice %arg7[%dma_start3A_236, %dma_start3A_245, %dma_start3A_246] : memref<2x1664x32xf32, #tpu.memory_space<vmem>> -> memref<1x1664x32xf32, #tpu.memory_space<vmem>>
    %dma_start3A_248 = tpu.memref_squeeze %dma_start3A_247 : memref<1x1664x32xf32, #tpu.memory_space<vmem>> -> memref<1664x32xf32, #tpu.memory_space<vmem>>
    tpu.enqueue_dma source(%dma_start3A_248 : memref<1664x32xf32, #tpu.memory_space<vmem>>) target(%dma_start3A_244 : memref<1664x32xf32, #tpu.memory_space<hbm>>) target_semaphore(%arg9 : memref<!tpu.dma_semaphore, #tpu.memory_space<semaphore_mem>>)
    %add3A_249 = arith.constant 8320 : i32
    %add3A_250 = arith.addi %mul3A_2, %add3A_249 : i32
    %scan3A_251 = arith.constant 0 : i32
    %scan3A_252 = arith.constant 0 : i32
    %scan3A_253 = arith.constant 104 : i32
    %scan3A_254 = arith.addi %scan3A_252, %scan3A_253 : i32
    %scan3A_255 = arith.constant 1 : i32
    %scan3A_256 = scf.for %scan3A_440 = %scan3A_252 to %scan3A_254 step %scan3A_255 iter_args(%scan3A_441 = %scan3A_251) -> (i32)  : i32 {
      %mul3A_442 = arith.constant 16 : i32
      %mul3A_443 = arith.muli %scan3A_440, %mul3A_442 : i32
      %add3A_444 = arith.addi %add3A_250, %mul3A_443 : i32
      %add3A_445 = vector.broadcast %add3A_444 : i32 to vector<16xi32>
      %add3A_446 = arith.addi %add3A_445, %iota3A : vector<16xi32>
      %and3A = arith.constant 32767 : i32
      %and3A_447 = vector.broadcast %and3A : i32 to vector<16xi32>
      %and3A_448 = arith.andi %add3A_446, %and3A_447 : vector<16xi32>
      %shift_right_arithmetic3A = arith.constant 2 : i32
      %shift_right_arithmetic3A_449 = vector.broadcast %shift_right_arithmetic3A : i32 to vector<16xi32>
      %shift_right_arithmetic3A_450 = arith.shrsi %and3A_448, %shift_right_arithmetic3A_449 : vector<16xi32>
      %mul3A_451 = arith.constant 52 : i32
      %mul3A_452 = vector.broadcast %mul3A_451 : i32 to vector<16xi32>
      %mul3A_453 = arith.muli %mul3A_452, %shift_right_arithmetic3A_450 : vector<16xi32>
      %shift_right_arithmetic3A_454 = arith.constant 15 : i32
      %shift_right_arithmetic3A_455 = vector.broadcast %shift_right_arithmetic3A_454 : i32 to vector<16xi32>
      %shift_right_arithmetic3A_456 = arith.shrsi %add3A_446, %shift_right_arithmetic3A_455 : vector<16xi32>
      %shift_left3A = arith.constant 2 : i32
      %shift_left3A_457 = vector.broadcast %shift_left3A : i32 to vector<16xi32>
      %shift_left3A_458 = arith.shli %shift_right_arithmetic3A_456, %shift_left3A_457 : vector<16xi32>
      %add3A_459 = arith.addi %mul3A_453, %shift_left3A_458 : vector<16xi32>
      %and3A_460 = arith.constant 3 : i32
      %and3A_461 = vector.broadcast %and3A_460 : i32 to vector<16xi32>
      %and3A_462 = arith.andi %add3A_446, %and3A_461 : vector<16xi32>
      %add3A_463 = arith.addi %add3A_459, %and3A_462 : vector<16xi32>
      %mul3A_464 = arith.constant 16 : i32
      %mul3A_465 = arith.muli %scan3A_440, %mul3A_464 : i32
      %swap3A = arith.index_cast %mul3A_465 : i32 to index
      %swap3A_466 = tpu.vector_load %arg5[%swap3A] {strides = array<i32>} : memref<1664xi32, #tpu.memory_space<vmem>>, vector<16xi32>,
      %swap3A_467 = vector.shape_cast %swap3A_466 : vector<16xi32> to vector<16xi32>
      %swap3A_468 = vector.shape_cast %add3A_463 : vector<16xi32> to vector<16xi32>
      tpu.vector_store %arg5[%swap3A], %swap3A_468 {strides = array<i32>} : memref<1664xi32, #tpu.memory_space<vmem>>, vector<16xi32>,
      %scan3A_469 = arith.constant 0 : i32
      scf.yield %scan3A_469 : i32
    }
    %scan3A_257 = arith.constant 104 : i32
    %dma_start3A_258 = arith.constant 0 : i32
    %dma_start3A_259 = tpu.memref_slice %arg2[%dma_start3A_258] : memref<425984xi32, #tpu.memory_space<hbm>> -> memref<425984xi32, #tpu.memory_space<hbm>>
    tpu.enqueue_indirect_dma source(%dma_start3A_259 : memref<425984xi32, #tpu.memory_space<hbm>>) target(%arg6 : memref<1664xi32, #tpu.memory_space<vmem>>) offsets(%arg5 : memref<1664xi32, #tpu.memory_space<vmem>>) semaphore(%arg8 : memref<!tpu.dma_semaphore, #tpu.memory_space<semaphore_mem>>)
    %dma_wait3A_260 = arith.constant 0 : i32
    %dma_wait3A_261 = tpu.memref_slice %arg2[%dma_wait3A_260] : memref<425984xi32, #tpu.memory_space<hbm>> -> memref<425984xi32, #tpu.memory_space<hbm>>
    tpu.wait_indirect_dma semaphore(%arg8 : memref<!tpu.dma_semaphore, #tpu.memory_space<semaphore_mem>>) src(%dma_wait3A_261 : memref<425984xi32, #tpu.memory_space<hbm>>) dst(%arg6 : memref<1664xi32, #tpu.memory_space<vmem>>)
    %dma_wait3A_262 = arith.constant 1 : i32
    %dma_wait3A_263 = arith.constant 0 : i32
    %dma_wait3A_264 = arith.constant 0 : i32
    %dma_wait3A_265 = tpu.memref_slice %arg7[%dma_wait3A_262, %dma_wait3A_263, %dma_wait3A_264] : memref<2x1664x32xf32, #tpu.memory_space<vmem>> -> memref<1x1664x32xf32, #tpu.memory_space<vmem>>
    %dma_wait3A_266 = tpu.memref_squeeze %dma_wait3A_265 : memref<1x1664x32xf32, #tpu.memory_space<vmem>> -> memref<1664x32xf32, #tpu.memory_space<vmem>>
    %dma_wait3A_267 = arith.constant 0 : i32
    %dma_wait3A_268 = tpu.memref_slice %arg4[%add3A_140, %dma_wait3A_267] : memref<425984x32xf32, #tpu.memory_space<hbm>> -> memref<1664x32xf32, #tpu.memory_space<hbm>>
    %dma_wait3A_269 = arith.constant 0 : i32
    %dma_wait3A_270 = tpu.memref_slice %arg4[%add3A_140, %dma_wait3A_269] : memref<425984x32xf32, #tpu.memory_space<hbm>> -> memref<1664x32xf32, #tpu.memory_space<hbm>>
    %dma_wait3A_271 = arith.constant 0 : i32
    %dma_wait3A_272 = arith.constant 0 : i32
    %dma_wait3A_273 = tpu.memref_slice %arg7[%dma_wait3A_262, %dma_wait3A_271, %dma_wait3A_272] : memref<2x1664x32xf32, #tpu.memory_space<vmem>> -> memref<1x1664x32xf32, #tpu.memory_space<vmem>>
    %dma_wait3A_274 = tpu.memref_squeeze %dma_wait3A_273 : memref<1x1664x32xf32, #tpu.memory_space<vmem>> -> memref<1664x32xf32, #tpu.memory_space<vmem>>
    tpu.wait_dma2 semaphore(%arg10 : memref<!tpu.dma_semaphore, #tpu.memory_space<semaphore_mem>>) src(%dma_wait3A_274 : memref<1664x32xf32, #tpu.memory_space<vmem>>) dst(%dma_wait3A_270 : memref<1664x32xf32, #tpu.memory_space<hbm>>)
    %dma_start3A_275 = arith.constant 1 : i32
    %dma_start3A_276 = arith.constant 0 : i32
    %dma_start3A_277 = arith.constant 0 : i32
    %dma_start3A_278 = tpu.memref_slice %arg7[%dma_start3A_275, %dma_start3A_276, %dma_start3A_277] : memref<2x1664x32xf32, #tpu.memory_space<vmem>> -> memref<1x1664x32xf32, #tpu.memory_space<vmem>>
    %dma_start3A_279 = tpu.memref_squeeze %dma_start3A_278 : memref<1x1664x32xf32, #tpu.memory_space<vmem>> -> memref<1664x32xf32, #tpu.memory_space<vmem>>
    %dma_start3A_280 = arith.constant 0 : i32
    %dma_start3A_281 = arith.constant 0 : i32
    %dma_start3A_282 = tpu.memref_slice %arg3[%dma_start3A_280, %dma_start3A_281] : memref<2800000x32xf32, #tpu.memory_space<hbm>> -> memref<2800000x32xf32, #tpu.memory_space<hbm>>
    tpu.enqueue_indirect_dma source(%dma_start3A_282 : memref<2800000x32xf32, #tpu.memory_space<hbm>>) target(%dma_start3A_279 : memref<1664x32xf32, #tpu.memory_space<vmem>>) offsets(%arg6 : memref<1664xi32, #tpu.memory_space<vmem>>) semaphore(%arg8 : memref<!tpu.dma_semaphore, #tpu.memory_space<semaphore_mem>>)
    %dma_wait3A_283 = arith.constant 1 : i32
    %dma_wait3A_284 = arith.constant 0 : i32
    %dma_wait3A_285 = arith.constant 0 : i32
    %dma_wait3A_286 = tpu.memref_slice %arg7[%dma_wait3A_283, %dma_wait3A_284, %dma_wait3A_285] : memref<2x1664x32xf32, #tpu.memory_space<vmem>> -> memref<1x1664x32xf32, #tpu.memory_space<vmem>>
    %dma_wait3A_287 = tpu.memref_squeeze %dma_wait3A_286 : memref<1x1664x32xf32, #tpu.memory_space<vmem>> -> memref<1664x32xf32, #tpu.memory_space<vmem>>
    %dma_wait3A_288 = arith.constant 0 : i32
    %dma_wait3A_289 = arith.constant 0 : i32
    %dma_wait3A_290 = tpu.memref_slice %arg3[%dma_wait3A_288, %dma_wait3A_289] : memref<2800000x32xf32, #tpu.memory_space<hbm>> -> memref<2800000x32xf32, #tpu.memory_space<hbm>>
    tpu.wait_indirect_dma semaphore(%arg8 : memref<!tpu.dma_semaphore, #tpu.memory_space<semaphore_mem>>) src(%dma_wait3A_290 : memref<2800000x32xf32, #tpu.memory_space<hbm>>) dst(%dma_wait3A_287 : memref<1664x32xf32, #tpu.memory_space<vmem>>)
    %dma_start3A_291 = arith.constant 1 : i32
    %dma_start3A_292 = arith.constant 0 : i32
    %dma_start3A_293 = arith.constant 0 : i32
    %dma_start3A_294 = tpu.memref_slice %arg7[%dma_start3A_291, %dma_start3A_292, %dma_start3A_293] : memref<2x1664x32xf32, #tpu.memory_space<vmem>> -> memref<1x1664x32xf32, #tpu.memory_space<vmem>>
    %dma_start3A_295 = tpu.memref_squeeze %dma_start3A_294 : memref<1x1664x32xf32, #tpu.memory_space<vmem>> -> memref<1664x32xf32, #tpu.memory_space<vmem>>
    %dma_start3A_296 = arith.constant 0 : i32
    %dma_start3A_297 = tpu.memref_slice %arg4[%add3A_250, %dma_start3A_296] : memref<425984x32xf32, #tpu.memory_space<hbm>> -> memref<1664x32xf32, #tpu.memory_space<hbm>>
    %dma_start3A_298 = arith.constant 0 : i32
    %dma_start3A_299 = tpu.memref_slice %arg4[%add3A_250, %dma_start3A_298] : memref<425984x32xf32, #tpu.memory_space<hbm>> -> memref<1664x32xf32, #tpu.memory_space<hbm>>
    %dma_start3A_300 = arith.constant 0 : i32
    %dma_start3A_301 = arith.constant 0 : i32
    %dma_start3A_302 = tpu.memref_slice %arg7[%dma_start3A_291, %dma_start3A_300, %dma_start3A_301] : memref<2x1664x32xf32, #tpu.memory_space<vmem>> -> memref<1x1664x32xf32, #tpu.memory_space<vmem>>
    %dma_start3A_303 = tpu.memref_squeeze %dma_start3A_302 : memref<1x1664x32xf32, #tpu.memory_space<vmem>> -> memref<1664x32xf32, #tpu.memory_space<vmem>>
    tpu.enqueue_dma source(%dma_start3A_303 : memref<1664x32xf32, #tpu.memory_space<vmem>>) target(%dma_start3A_299 : memref<1664x32xf32, #tpu.memory_space<hbm>>) target_semaphore(%arg10 : memref<!tpu.dma_semaphore, #tpu.memory_space<semaphore_mem>>)
    %add3A_304 = arith.constant 9984 : i32
    %add3A_305 = arith.addi %mul3A_2, %add3A_304 : i32
    %scan3A_306 = arith.constant 0 : i32
    %scan3A_307 = arith.constant 0 : i32
    %scan3A_308 = arith.constant 104 : i32
    %scan3A_309 = arith.addi %scan3A_307, %scan3A_308 : i32
    %scan3A_310 = arith.constant 1 : i32
    %scan3A_311 = scf.for %scan3A_440 = %scan3A_307 to %scan3A_309 step %scan3A_310 iter_args(%scan3A_441 = %scan3A_306) -> (i32)  : i32 {
      %mul3A_442 = arith.constant 16 : i32
      %mul3A_443 = arith.muli %scan3A_440, %mul3A_442 : i32
      %add3A_444 = arith.addi %add3A_305, %mul3A_443 : i32
      %add3A_445 = vector.broadcast %add3A_444 : i32 to vector<16xi32>
      %add3A_446 = arith.addi %add3A_445, %iota3A : vector<16xi32>
      %and3A = arith.constant 32767 : i32
      %and3A_447 = vector.broadcast %and3A : i32 to vector<16xi32>
      %and3A_448 = arith.andi %add3A_446, %and3A_447 : vector<16xi32>
      %shift_right_arithmetic3A = arith.constant 2 : i32
      %shift_right_arithmetic3A_449 = vector.broadcast %shift_right_arithmetic3A : i32 to vector<16xi32>
      %shift_right_arithmetic3A_450 = arith.shrsi %and3A_448, %shift_right_arithmetic3A_449 : vector<16xi32>
      %mul3A_451 = arith.constant 52 : i32
      %mul3A_452 = vector.broadcast %mul3A_451 : i32 to vector<16xi32>
      %mul3A_453 = arith.muli %mul3A_452, %shift_right_arithmetic3A_450 : vector<16xi32>
      %shift_right_arithmetic3A_454 = arith.constant 15 : i32
      %shift_right_arithmetic3A_455 = vector.broadcast %shift_right_arithmetic3A_454 : i32 to vector<16xi32>
      %shift_right_arithmetic3A_456 = arith.shrsi %add3A_446, %shift_right_arithmetic3A_455 : vector<16xi32>
      %shift_left3A = arith.constant 2 : i32
      %shift_left3A_457 = vector.broadcast %shift_left3A : i32 to vector<16xi32>
      %shift_left3A_458 = arith.shli %shift_right_arithmetic3A_456, %shift_left3A_457 : vector<16xi32>
      %add3A_459 = arith.addi %mul3A_453, %shift_left3A_458 : vector<16xi32>
      %and3A_460 = arith.constant 3 : i32
      %and3A_461 = vector.broadcast %and3A_460 : i32 to vector<16xi32>
      %and3A_462 = arith.andi %add3A_446, %and3A_461 : vector<16xi32>
      %add3A_463 = arith.addi %add3A_459, %and3A_462 : vector<16xi32>
      %mul3A_464 = arith.constant 16 : i32
      %mul3A_465 = arith.muli %scan3A_440, %mul3A_464 : i32
      %swap3A = arith.index_cast %mul3A_465 : i32 to index
      %swap3A_466 = tpu.vector_load %arg5[%swap3A] {strides = array<i32>} : memref<1664xi32, #tpu.memory_space<vmem>>, vector<16xi32>,
      %swap3A_467 = vector.shape_cast %swap3A_466 : vector<16xi32> to vector<16xi32>
      %swap3A_468 = vector.shape_cast %add3A_463 : vector<16xi32> to vector<16xi32>
      tpu.vector_store %arg5[%swap3A], %swap3A_468 {strides = array<i32>} : memref<1664xi32, #tpu.memory_space<vmem>>, vector<16xi32>,
      %scan3A_469 = arith.constant 0 : i32
      scf.yield %scan3A_469 : i32
    }
    %scan3A_312 = arith.constant 104 : i32
    %dma_start3A_313 = arith.constant 0 : i32
    %dma_start3A_314 = tpu.memref_slice %arg2[%dma_start3A_313] : memref<425984xi32, #tpu.memory_space<hbm>> -> memref<425984xi32, #tpu.memory_space<hbm>>
    tpu.enqueue_indirect_dma source(%dma_start3A_314 : memref<425984xi32, #tpu.memory_space<hbm>>) target(%arg6 : memref<1664xi32, #tpu.memory_space<vmem>>) offsets(%arg5 : memref<1664xi32, #tpu.memory_space<vmem>>) semaphore(%arg8 : memref<!tpu.dma_semaphore, #tpu.memory_space<semaphore_mem>>)
    %dma_wait3A_315 = arith.constant 0 : i32
    %dma_wait3A_316 = tpu.memref_slice %arg2[%dma_wait3A_315] : memref<425984xi32, #tpu.memory_space<hbm>> -> memref<425984xi32, #tpu.memory_space<hbm>>
    tpu.wait_indirect_dma semaphore(%arg8 : memref<!tpu.dma_semaphore, #tpu.memory_space<semaphore_mem>>) src(%dma_wait3A_316 : memref<425984xi32, #tpu.memory_space<hbm>>) dst(%arg6 : memref<1664xi32, #tpu.memory_space<vmem>>)
    %dma_wait3A_317 = arith.constant 0 : i32
    %dma_wait3A_318 = arith.constant 0 : i32
    %dma_wait3A_319 = arith.constant 0 : i32
    %dma_wait3A_320 = tpu.memref_slice %arg7[%dma_wait3A_317, %dma_wait3A_318, %dma_wait3A_319] : memref<2x1664x32xf32, #tpu.memory_space<vmem>> -> memref<1x1664x32xf32, #tpu.memory_space<vmem>>
    %dma_wait3A_321 = tpu.memref_squeeze %dma_wait3A_320 : memref<1x1664x32xf32, #tpu.memory_space<vmem>> -> memref<1664x32xf32, #tpu.memory_space<vmem>>
    %dma_wait3A_322 = arith.constant 0 : i32
    %dma_wait3A_323 = tpu.memref_slice %arg4[%add3A_195, %dma_wait3A_322] : memref<425984x32xf32, #tpu.memory_space<hbm>> -> memref<1664x32xf32, #tpu.memory_space<hbm>>
    %dma_wait3A_324 = arith.constant 0 : i32
    %dma_wait3A_325 = tpu.memref_slice %arg4[%add3A_195, %dma_wait3A_324] : memref<425984x32xf32, #tpu.memory_space<hbm>> -> memref<1664x32xf32, #tpu.memory_space<hbm>>
    %dma_wait3A_326 = arith.constant 0 : i32
    %dma_wait3A_327 = arith.constant 0 : i32
    %dma_wait3A_328 = tpu.memref_slice %arg7[%dma_wait3A_317, %dma_wait3A_326, %dma_wait3A_327] : memref<2x1664x32xf32, #tpu.memory_space<vmem>> -> memref<1x1664x32xf32, #tpu.memory_space<vmem>>
    %dma_wait3A_329 = tpu.memref_squeeze %dma_wait3A_328 : memref<1x1664x32xf32, #tpu.memory_space<vmem>> -> memref<1664x32xf32, #tpu.memory_space<vmem>>
    tpu.wait_dma2 semaphore(%arg9 : memref<!tpu.dma_semaphore, #tpu.memory_space<semaphore_mem>>) src(%dma_wait3A_329 : memref<1664x32xf32, #tpu.memory_space<vmem>>) dst(%dma_wait3A_325 : memref<1664x32xf32, #tpu.memory_space<hbm>>)
    %dma_start3A_330 = arith.constant 0 : i32
    %dma_start3A_331 = arith.constant 0 : i32
    %dma_start3A_332 = arith.constant 0 : i32
    %dma_start3A_333 = tpu.memref_slice %arg7[%dma_start3A_330, %dma_start3A_331, %dma_start3A_332] : memref<2x1664x32xf32, #tpu.memory_space<vmem>> -> memref<1x1664x32xf32, #tpu.memory_space<vmem>>
    %dma_start3A_334 = tpu.memref_squeeze %dma_start3A_333 : memref<1x1664x32xf32, #tpu.memory_space<vmem>> -> memref<1664x32xf32, #tpu.memory_space<vmem>>
    %dma_start3A_335 = arith.constant 0 : i32
    %dma_start3A_336 = arith.constant 0 : i32
    %dma_start3A_337 = tpu.memref_slice %arg3[%dma_start3A_335, %dma_start3A_336] : memref<2800000x32xf32, #tpu.memory_space<hbm>> -> memref<2800000x32xf32, #tpu.memory_space<hbm>>
    tpu.enqueue_indirect_dma source(%dma_start3A_337 : memref<2800000x32xf32, #tpu.memory_space<hbm>>) target(%dma_start3A_334 : memref<1664x32xf32, #tpu.memory_space<vmem>>) offsets(%arg6 : memref<1664xi32, #tpu.memory_space<vmem>>) semaphore(%arg8 : memref<!tpu.dma_semaphore, #tpu.memory_space<semaphore_mem>>)
    %dma_wait3A_338 = arith.constant 0 : i32
    %dma_wait3A_339 = arith.constant 0 : i32
    %dma_wait3A_340 = arith.constant 0 : i32
    %dma_wait3A_341 = tpu.memref_slice %arg7[%dma_wait3A_338, %dma_wait3A_339, %dma_wait3A_340] : memref<2x1664x32xf32, #tpu.memory_space<vmem>> -> memref<1x1664x32xf32, #tpu.memory_space<vmem>>
    %dma_wait3A_342 = tpu.memref_squeeze %dma_wait3A_341 : memref<1x1664x32xf32, #tpu.memory_space<vmem>> -> memref<1664x32xf32, #tpu.memory_space<vmem>>
    %dma_wait3A_343 = arith.constant 0 : i32
    %dma_wait3A_344 = arith.constant 0 : i32
    %dma_wait3A_345 = tpu.memref_slice %arg3[%dma_wait3A_343, %dma_wait3A_344] : memref<2800000x32xf32, #tpu.memory_space<hbm>> -> memref<2800000x32xf32, #tpu.memory_space<hbm>>
    tpu.wait_indirect_dma semaphore(%arg8 : memref<!tpu.dma_semaphore, #tpu.memory_space<semaphore_mem>>) src(%dma_wait3A_345 : memref<2800000x32xf32, #tpu.memory_space<hbm>>) dst(%dma_wait3A_342 : memref<1664x32xf32, #tpu.memory_space<vmem>>)
    %dma_start3A_346 = arith.constant 0 : i32
    %dma_start3A_347 = arith.constant 0 : i32
    %dma_start3A_348 = arith.constant 0 : i32
    %dma_start3A_349 = tpu.memref_slice %arg7[%dma_start3A_346, %dma_start3A_347, %dma_start3A_348] : memref<2x1664x32xf32, #tpu.memory_space<vmem>> -> memref<1x1664x32xf32, #tpu.memory_space<vmem>>
    %dma_start3A_350 = tpu.memref_squeeze %dma_start3A_349 : memref<1x1664x32xf32, #tpu.memory_space<vmem>> -> memref<1664x32xf32, #tpu.memory_space<vmem>>
    %dma_start3A_351 = arith.constant 0 : i32
    %dma_start3A_352 = tpu.memref_slice %arg4[%add3A_305, %dma_start3A_351] : memref<425984x32xf32, #tpu.memory_space<hbm>> -> memref<1664x32xf32, #tpu.memory_space<hbm>>
    %dma_start3A_353 = arith.constant 0 : i32
    %dma_start3A_354 = tpu.memref_slice %arg4[%add3A_305, %dma_start3A_353] : memref<425984x32xf32, #tpu.memory_space<hbm>> -> memref<1664x32xf32, #tpu.memory_space<hbm>>
    %dma_start3A_355 = arith.constant 0 : i32
    %dma_start3A_356 = arith.constant 0 : i32
    %dma_start3A_357 = tpu.memref_slice %arg7[%dma_start3A_346, %dma_start3A_355, %dma_start3A_356] : memref<2x1664x32xf32, #tpu.memory_space<vmem>> -> memref<1x1664x32xf32, #tpu.memory_space<vmem>>
    %dma_start3A_358 = tpu.memref_squeeze %dma_start3A_357 : memref<1x1664x32xf32, #tpu.memory_space<vmem>> -> memref<1664x32xf32, #tpu.memory_space<vmem>>
    tpu.enqueue_dma source(%dma_start3A_358 : memref<1664x32xf32, #tpu.memory_space<vmem>>) target(%dma_start3A_354 : memref<1664x32xf32, #tpu.memory_space<hbm>>) target_semaphore(%arg9 : memref<!tpu.dma_semaphore, #tpu.memory_space<semaphore_mem>>)
    %add3A_359 = arith.constant 11648 : i32
    %add3A_360 = arith.addi %mul3A_2, %add3A_359 : i32
    %scan3A_361 = arith.constant 0 : i32
    %scan3A_362 = arith.constant 0 : i32
    %scan3A_363 = arith.constant 104 : i32
    %scan3A_364 = arith.addi %scan3A_362, %scan3A_363 : i32
    %scan3A_365 = arith.constant 1 : i32
    %scan3A_366 = scf.for %scan3A_440 = %scan3A_362 to %scan3A_364 step %scan3A_365 iter_args(%scan3A_441 = %scan3A_361) -> (i32)  : i32 {
      %mul3A_442 = arith.constant 16 : i32
      %mul3A_443 = arith.muli %scan3A_440, %mul3A_442 : i32
      %add3A_444 = arith.addi %add3A_360, %mul3A_443 : i32
      %add3A_445 = vector.broadcast %add3A_444 : i32 to vector<16xi32>
      %add3A_446 = arith.addi %add3A_445, %iota3A : vector<16xi32>
      %and3A = arith.constant 32767 : i32
      %and3A_447 = vector.broadcast %and3A : i32 to vector<16xi32>
      %and3A_448 = arith.andi %add3A_446, %and3A_447 : vector<16xi32>
      %shift_right_arithmetic3A = arith.constant 2 : i32
      %shift_right_arithmetic3A_449 = vector.broadcast %shift_right_arithmetic3A : i32 to vector<16xi32>
      %shift_right_arithmetic3A_450 = arith.shrsi %and3A_448, %shift_right_arithmetic3A_449 : vector<16xi32>
      %mul3A_451 = arith.constant 52 : i32
      %mul3A_452 = vector.broadcast %mul3A_451 : i32 to vector<16xi32>
      %mul3A_453 = arith.muli %mul3A_452, %shift_right_arithmetic3A_450 : vector<16xi32>
      %shift_right_arithmetic3A_454 = arith.constant 15 : i32
      %shift_right_arithmetic3A_455 = vector.broadcast %shift_right_arithmetic3A_454 : i32 to vector<16xi32>
      %shift_right_arithmetic3A_456 = arith.shrsi %add3A_446, %shift_right_arithmetic3A_455 : vector<16xi32>
      %shift_left3A = arith.constant 2 : i32
      %shift_left3A_457 = vector.broadcast %shift_left3A : i32 to vector<16xi32>
      %shift_left3A_458 = arith.shli %shift_right_arithmetic3A_456, %shift_left3A_457 : vector<16xi32>
      %add3A_459 = arith.addi %mul3A_453, %shift_left3A_458 : vector<16xi32>
      %and3A_460 = arith.constant 3 : i32
      %and3A_461 = vector.broadcast %and3A_460 : i32 to vector<16xi32>
      %and3A_462 = arith.andi %add3A_446, %and3A_461 : vector<16xi32>
      %add3A_463 = arith.addi %add3A_459, %and3A_462 : vector<16xi32>
      %mul3A_464 = arith.constant 16 : i32
      %mul3A_465 = arith.muli %scan3A_440, %mul3A_464 : i32
      %swap3A = arith.index_cast %mul3A_465 : i32 to index
      %swap3A_466 = tpu.vector_load %arg5[%swap3A] {strides = array<i32>} : memref<1664xi32, #tpu.memory_space<vmem>>, vector<16xi32>,
      %swap3A_467 = vector.shape_cast %swap3A_466 : vector<16xi32> to vector<16xi32>
      %swap3A_468 = vector.shape_cast %add3A_463 : vector<16xi32> to vector<16xi32>
      tpu.vector_store %arg5[%swap3A], %swap3A_468 {strides = array<i32>} : memref<1664xi32, #tpu.memory_space<vmem>>, vector<16xi32>,
      %scan3A_469 = arith.constant 0 : i32
      scf.yield %scan3A_469 : i32
    }
    %scan3A_367 = arith.constant 104 : i32
    %dma_start3A_368 = arith.constant 0 : i32
    %dma_start3A_369 = tpu.memref_slice %arg2[%dma_start3A_368] : memref<425984xi32, #tpu.memory_space<hbm>> -> memref<425984xi32, #tpu.memory_space<hbm>>
    tpu.enqueue_indirect_dma source(%dma_start3A_369 : memref<425984xi32, #tpu.memory_space<hbm>>) target(%arg6 : memref<1664xi32, #tpu.memory_space<vmem>>) offsets(%arg5 : memref<1664xi32, #tpu.memory_space<vmem>>) semaphore(%arg8 : memref<!tpu.dma_semaphore, #tpu.memory_space<semaphore_mem>>)
    %dma_wait3A_370 = arith.constant 0 : i32
    %dma_wait3A_371 = tpu.memref_slice %arg2[%dma_wait3A_370] : memref<425984xi32, #tpu.memory_space<hbm>> -> memref<425984xi32, #tpu.memory_space<hbm>>
    tpu.wait_indirect_dma semaphore(%arg8 : memref<!tpu.dma_semaphore, #tpu.memory_space<semaphore_mem>>) src(%dma_wait3A_371 : memref<425984xi32, #tpu.memory_space<hbm>>) dst(%arg6 : memref<1664xi32, #tpu.memory_space<vmem>>)
    %dma_wait3A_372 = arith.constant 1 : i32
    %dma_wait3A_373 = arith.constant 0 : i32
    %dma_wait3A_374 = arith.constant 0 : i32
    %dma_wait3A_375 = tpu.memref_slice %arg7[%dma_wait3A_372, %dma_wait3A_373, %dma_wait3A_374] : memref<2x1664x32xf32, #tpu.memory_space<vmem>> -> memref<1x1664x32xf32, #tpu.memory_space<vmem>>
    %dma_wait3A_376 = tpu.memref_squeeze %dma_wait3A_375 : memref<1x1664x32xf32, #tpu.memory_space<vmem>> -> memref<1664x32xf32, #tpu.memory_space<vmem>>
    %dma_wait3A_377 = arith.constant 0 : i32
    %dma_wait3A_378 = tpu.memref_slice %arg4[%add3A_250, %dma_wait3A_377] : memref<425984x32xf32, #tpu.memory_space<hbm>> -> memref<1664x32xf32, #tpu.memory_space<hbm>>
    %dma_wait3A_379 = arith.constant 0 : i32
    %dma_wait3A_380 = tpu.memref_slice %arg4[%add3A_250, %dma_wait3A_379] : memref<425984x32xf32, #tpu.memory_space<hbm>> -> memref<1664x32xf32, #tpu.memory_space<hbm>>
    %dma_wait3A_381 = arith.constant 0 : i32
    %dma_wait3A_382 = arith.constant 0 : i32
    %dma_wait3A_383 = tpu.memref_slice %arg7[%dma_wait3A_372, %dma_wait3A_381, %dma_wait3A_382] : memref<2x1664x32xf32, #tpu.memory_space<vmem>> -> memref<1x1664x32xf32, #tpu.memory_space<vmem>>
    %dma_wait3A_384 = tpu.memref_squeeze %dma_wait3A_383 : memref<1x1664x32xf32, #tpu.memory_space<vmem>> -> memref<1664x32xf32, #tpu.memory_space<vmem>>
    tpu.wait_dma2 semaphore(%arg10 : memref<!tpu.dma_semaphore, #tpu.memory_space<semaphore_mem>>) src(%dma_wait3A_384 : memref<1664x32xf32, #tpu.memory_space<vmem>>) dst(%dma_wait3A_380 : memref<1664x32xf32, #tpu.memory_space<hbm>>)
    %dma_start3A_385 = arith.constant 1 : i32
    %dma_start3A_386 = arith.constant 0 : i32
    %dma_start3A_387 = arith.constant 0 : i32
    %dma_start3A_388 = tpu.memref_slice %arg7[%dma_start3A_385, %dma_start3A_386, %dma_start3A_387] : memref<2x1664x32xf32, #tpu.memory_space<vmem>> -> memref<1x1664x32xf32, #tpu.memory_space<vmem>>
    %dma_start3A_389 = tpu.memref_squeeze %dma_start3A_388 : memref<1x1664x32xf32, #tpu.memory_space<vmem>> -> memref<1664x32xf32, #tpu.memory_space<vmem>>
    %dma_start3A_390 = arith.constant 0 : i32
    %dma_start3A_391 = arith.constant 0 : i32
    %dma_start3A_392 = tpu.memref_slice %arg3[%dma_start3A_390, %dma_start3A_391] : memref<2800000x32xf32, #tpu.memory_space<hbm>> -> memref<2800000x32xf32, #tpu.memory_space<hbm>>
    tpu.enqueue_indirect_dma source(%dma_start3A_392 : memref<2800000x32xf32, #tpu.memory_space<hbm>>) target(%dma_start3A_389 : memref<1664x32xf32, #tpu.memory_space<vmem>>) offsets(%arg6 : memref<1664xi32, #tpu.memory_space<vmem>>) semaphore(%arg8 : memref<!tpu.dma_semaphore, #tpu.memory_space<semaphore_mem>>)
    %dma_wait3A_393 = arith.constant 1 : i32
    %dma_wait3A_394 = arith.constant 0 : i32
    %dma_wait3A_395 = arith.constant 0 : i32
    %dma_wait3A_396 = tpu.memref_slice %arg7[%dma_wait3A_393, %dma_wait3A_394, %dma_wait3A_395] : memref<2x1664x32xf32, #tpu.memory_space<vmem>> -> memref<1x1664x32xf32, #tpu.memory_space<vmem>>
    %dma_wait3A_397 = tpu.memref_squeeze %dma_wait3A_396 : memref<1x1664x32xf32, #tpu.memory_space<vmem>> -> memref<1664x32xf32, #tpu.memory_space<vmem>>
    %dma_wait3A_398 = arith.constant 0 : i32
    %dma_wait3A_399 = arith.constant 0 : i32
    %dma_wait3A_400 = tpu.memref_slice %arg3[%dma_wait3A_398, %dma_wait3A_399] : memref<2800000x32xf32, #tpu.memory_space<hbm>> -> memref<2800000x32xf32, #tpu.memory_space<hbm>>
    tpu.wait_indirect_dma semaphore(%arg8 : memref<!tpu.dma_semaphore, #tpu.memory_space<semaphore_mem>>) src(%dma_wait3A_400 : memref<2800000x32xf32, #tpu.memory_space<hbm>>) dst(%dma_wait3A_397 : memref<1664x32xf32, #tpu.memory_space<vmem>>)
    %dma_start3A_401 = arith.constant 1 : i32
    %dma_start3A_402 = arith.constant 0 : i32
    %dma_start3A_403 = arith.constant 0 : i32
    %dma_start3A_404 = tpu.memref_slice %arg7[%dma_start3A_401, %dma_start3A_402, %dma_start3A_403] : memref<2x1664x32xf32, #tpu.memory_space<vmem>> -> memref<1x1664x32xf32, #tpu.memory_space<vmem>>
    %dma_start3A_405 = tpu.memref_squeeze %dma_start3A_404 : memref<1x1664x32xf32, #tpu.memory_space<vmem>> -> memref<1664x32xf32, #tpu.memory_space<vmem>>
    %dma_start3A_406 = arith.constant 0 : i32
    %dma_start3A_407 = tpu.memref_slice %arg4[%add3A_360, %dma_start3A_406] : memref<425984x32xf32, #tpu.memory_space<hbm>> -> memref<1664x32xf32, #tpu.memory_space<hbm>>
    %dma_start3A_408 = arith.constant 0 : i32
    %dma_start3A_409 = tpu.memref_slice %arg4[%add3A_360, %dma_start3A_408] : memref<425984x32xf32, #tpu.memory_space<hbm>> -> memref<1664x32xf32, #tpu.memory_space<hbm>>
    %dma_start3A_410 = arith.constant 0 : i32
    %dma_start3A_411 = arith.constant 0 : i32
    %dma_start3A_412 = tpu.memref_slice %arg7[%dma_start3A_401, %dma_start3A_410, %dma_start3A_411] : memref<2x1664x32xf32, #tpu.memory_space<vmem>> -> memref<1x1664x32xf32, #tpu.memory_space<vmem>>
    %dma_start3A_413 = tpu.memref_squeeze %dma_start3A_412 : memref<1x1664x32xf32, #tpu.memory_space<vmem>> -> memref<1664x32xf32, #tpu.memory_space<vmem>>
    tpu.enqueue_dma source(%dma_start3A_413 : memref<1664x32xf32, #tpu.memory_space<vmem>>) target(%dma_start3A_409 : memref<1664x32xf32, #tpu.memory_space<hbm>>) target_semaphore(%arg10 : memref<!tpu.dma_semaphore, #tpu.memory_space<semaphore_mem>>)
    %dma_wait3A_414 = arith.constant 0 : i32
    %dma_wait3A_415 = arith.constant 0 : i32
    %dma_wait3A_416 = arith.constant 0 : i32
    %dma_wait3A_417 = tpu.memref_slice %arg7[%dma_wait3A_414, %dma_wait3A_415, %dma_wait3A_416] : memref<2x1664x32xf32, #tpu.memory_space<vmem>> -> memref<1x1664x32xf32, #tpu.memory_space<vmem>>
    %dma_wait3A_418 = tpu.memref_squeeze %dma_wait3A_417 : memref<1x1664x32xf32, #tpu.memory_space<vmem>> -> memref<1664x32xf32, #tpu.memory_space<vmem>>
    %dma_wait3A_419 = arith.constant 0 : i32
    %dma_wait3A_420 = tpu.memref_slice %arg4[%add3A_305, %dma_wait3A_419] : memref<425984x32xf32, #tpu.memory_space<hbm>> -> memref<1664x32xf32, #tpu.memory_space<hbm>>
    %dma_wait3A_421 = arith.constant 0 : i32
    %dma_wait3A_422 = tpu.memref_slice %arg4[%add3A_305, %dma_wait3A_421] : memref<425984x32xf32, #tpu.memory_space<hbm>> -> memref<1664x32xf32, #tpu.memory_space<hbm>>
    %dma_wait3A_423 = arith.constant 0 : i32
    %dma_wait3A_424 = arith.constant 0 : i32
    %dma_wait3A_425 = tpu.memref_slice %arg7[%dma_wait3A_414, %dma_wait3A_423, %dma_wait3A_424] : memref<2x1664x32xf32, #tpu.memory_space<vmem>> -> memref<1x1664x32xf32, #tpu.memory_space<vmem>>
    %dma_wait3A_426 = tpu.memref_squeeze %dma_wait3A_425 : memref<1x1664x32xf32, #tpu.memory_space<vmem>> -> memref<1664x32xf32, #tpu.memory_space<vmem>>
    tpu.wait_dma2 semaphore(%arg9 : memref<!tpu.dma_semaphore, #tpu.memory_space<semaphore_mem>>) src(%dma_wait3A_426 : memref<1664x32xf32, #tpu.memory_space<vmem>>) dst(%dma_wait3A_422 : memref<1664x32xf32, #tpu.memory_space<hbm>>)
    %dma_wait3A_427 = arith.constant 1 : i32
    %dma_wait3A_428 = arith.constant 0 : i32
    %dma_wait3A_429 = arith.constant 0 : i32
    %dma_wait3A_430 = tpu.memref_slice %arg7[%dma_wait3A_427, %dma_wait3A_428, %dma_wait3A_429] : memref<2x1664x32xf32, #tpu.memory_space<vmem>> -> memref<1x1664x32xf32, #tpu.memory_space<vmem>>
    %dma_wait3A_431 = tpu.memref_squeeze %dma_wait3A_430 : memref<1x1664x32xf32, #tpu.memory_space<vmem>> -> memref<1664x32xf32, #tpu.memory_space<vmem>>
    %dma_wait3A_432 = arith.constant 0 : i32
    %dma_wait3A_433 = tpu.memref_slice %arg4[%add3A_360, %dma_wait3A_432] : memref<425984x32xf32, #tpu.memory_space<hbm>> -> memref<1664x32xf32, #tpu.memory_space<hbm>>
    %dma_wait3A_434 = arith.constant 0 : i32
    %dma_wait3A_435 = tpu.memref_slice %arg4[%add3A_360, %dma_wait3A_434] : memref<425984x32xf32, #tpu.memory_space<hbm>> -> memref<1664x32xf32, #tpu.memory_space<hbm>>
    %dma_wait3A_436 = arith.constant 0 : i32
    %dma_wait3A_437 = arith.constant 0 : i32
    %dma_wait3A_438 = tpu.memref_slice %arg7[%dma_wait3A_427, %dma_wait3A_436, %dma_wait3A_437] : memref<2x1664x32xf32, #tpu.memory_space<vmem>> -> memref<1x1664x32xf32, #tpu.memory_space<vmem>>
    %dma_wait3A_439 = tpu.memref_squeeze %dma_wait3A_438 : memref<1x1664x32xf32, #tpu.memory_space<vmem>> -> memref<1664x32xf32, #tpu.memory_space<vmem>>
    tpu.wait_dma2 semaphore(%arg10 : memref<!tpu.dma_semaphore, #tpu.memory_space<semaphore_mem>>) src(%dma_wait3A_439 : memref<1664x32xf32, #tpu.memory_space<vmem>>) dst(%dma_wait3A_435 : memref<1664x32xf32, #tpu.memory_space<hbm>>)
    return
  }
}

</mosaic_0001>

<sc_bundles>
// kernel: _sc_gather.3.cloned.1.call-start
scs
__scs_entry_jumppad:
0x0: {  	(pc) =	sbr.rel $0x88, $3  }
0x1: {  	(tag) =	ssettag $0x0;
	lr =	simm.s32 $0x1  }
0x2: {  	[smem:$0x3F9F] =	sst lr;
	_ =	strace $0xD0000000  }
0x3: {  	_ = 	snop  }
0x4: {  	_ = 	snop  }
0x5: {  	_ = 	snop  }
0x6: {  	_ = 	snop  }
0x7: {  	_ = 	snop  }
__scs_overlays_trampoline_lowered:
0x8: {  	[smem:$0x3FAE] =	sst s0  }
0x9: {  	[smem:$0x3FAF] =	sst s1  }
0xa: {  	[smem:$0x3FB0] =	sst s2  }
0xb: {  	[smem:$0x3FB1] =	sst s3  }
0xc: {  	[smem:$0x3FB2] =	sst s4  }
0xd: {  	[smem:$0x3FB3] =	sst s5  }
0xe: {  	[smem:$0x3FB4] =	sst s6  }
0xf: {  	[smem:$0x3FB5] =	sst s7  }
0x10: {  	[smem:$0x3FB6] =	sst s8  }
0x11: {  	[smem:$0x3FB7] =	sst s9;
	s0 =	simm.s32 @!p0 $0x0  }
0x12: {  	s1 =	sld [smem:$0x3F9D];
	s0 =	simm.s32 @p0 $0x1  }
0x13: {  	[smem:$0x3FB8] =	sst s0;
	s0 =	simm.s32 @!p1 $0x0  }
0x14: {  	s2 =	sld [smem:$0x3F9C];
	s0 =	simm.s32 @p1 $0x1  }
0x15: {  	[smem:$0x3FB9] =	sst s0;
	s0 =	simm.s32 @!p2 $0x0  }
0x16: {  	s3 =	sld [smem:$0x3FDB];
	s0 =	simm.s32 @p2 $0x1  }
0x17: {  	s4 =	simm.s32 $0x1BF5;
	[smem:$0x3FBB] =	sst s0  }
0x18: {  	s0 =	sld [smem:$0x3F9E];
	_ =	swait.ge [sflag:s4], $0x0  }
0x19: {  	s7 =	sld [smem:$0x3F9F]  }
0x1a: {  	s8 =	sadd.s32 $0xFFFFE003, lr  }
0x1b: {  	s9 =	sadd.s32 $0xFFFFFEF7, lr;
	s5 =	simm.s32 $0xFFFFFFFF;
	p2 =	slt.u32 s8, $0xFFFFF086  }
0x1c: {  	p1 =	slt.u32 s9, $0xF7A;
	s5 =	simm.s32 @!p2 $0x0  }
0x1d: {  	s5 =	simm.s32 @p1 $0x1;
	p0 =	seq.s32 s7, s2  }
0x1e: {  	s7 =	smul.u32 @!p0 $0xF7A, s2;
	p2 =	seq.s32 @!p0 s5, $0x0  }
0x1f: {  	s9 =	smul.u32 $0xF7A, s1;
	s8 =	simm.s32 @!p0 $0x1BF5;
	p2 =	por !p2, p0  }
0x20: {  	[sflag:s8] =	ssyncset.s32 @!p0 $0xFFFFF086;
	s6 =	sadd.s32 @!p0 s3, s7;
	s7 =	simm.s32 @!p0 $0x108  }
0x21: {  	s3 =	sadd.s32 s3, s9;
	s6 =	sadd.s32 @!p0 $0x88, s6;
	s7 =	simm.s32 @p2 $0x1082  }
0x22: {  	[simem:s7], [sflag:s8] =	dma.local @!p0 [hbm:s6], $0xF7A  }
0x23: {  	s9 =	sor.u32 $0xD0000000, s2;
	s6 =	simm.s32 $0x108;
	_ =	swait.ge @!p0 [sflag:s8], $0x0  }
0x24: {  	s3 =	sadd.s32 $0x88, s3;
	s6 =	simm.s32 @!p1 $0x1082;
	[sflag:s4] =	ssyncset.s32 $0xFFFFF086  }
0x25: {  	[simem:s6], [sflag:s4] =	dma.local [hbm:s3], $0xF7A  }
0x26: {  	[smem:$0x3F9F] =	sst s1;
	(tag) =	ssettag s2;
	_ =	strace s9  }
0x27: {  	s1 =	sld [smem:$0x3FAF]  }
0x28: {  	s2 =	sld [smem:$0x3FB0]  }
0x29: {  	s4 =	sld [smem:$0x3FB2]  }
0x2a: {  	p0 =	seq.s32 s5, $0x0;
	s5 =	sld [smem:$0x3FB3]  }
0x2b: {  	s6 =	sld [smem:$0x3FB4]  }
0x2c: {  	s7 =	sld [smem:$0x3FB5]  }
0x2d: {  	s3 =	simm.s32 $0x108;
	s8 =	sld [smem:$0x3FB6]  }
0x2e: {  	s3 =	simm.s32 @!p0 $0x1082;
	s9 =	sld [smem:$0x3FB7]  }
0x2f: {  	lr =	sadd.s32 s0, s3;
	s0 =	sld [smem:$0x3FAE]  }
0x30: {  	s3 =	sld [smem:$0x3FB1]  }
0x31: {  	[smem:$0x3FBA] =	sst s10  }
0x32: {  	s10 =	sld [smem:$0x3FB8];
	_ =	sdelay $0x3  }
0x33: {  	p0 =	seq.s32 s10, $0x1;
	s10 =	sld [smem:$0x3FBA];
	_ =	sdelay $0x3  }
0x34: {  	[smem:$0x3FBA] =	sst s10  }
0x35: {  	s10 =	sld [smem:$0x3FB9];
	_ =	sdelay $0x3  }
0x36: {  	p1 =	seq.s32 s10, $0x1;
	s10 =	sld [smem:$0x3FBA];
	_ =	sdelay $0x3  }
0x37: {  	[smem:$0x3FBA] =	sst s10  }
0x38: {  	s10 =	sld [smem:$0x3FBB]  }
0x39: {  	_ = 	snop;
	(pc) =	sbr.ind lr, $3  }
0x3a: {  	_ = 	snop  }
0x3b: {  	_ = 	snop  }
0x3c: {  	p2 =	seq.s32 s10, $0x1;
	s10 =	sld [smem:$0x3FBA]  }
0x3d: {  	_ =	shalt  }
0x3e: {  	_ =	shalt  }
0x3f: {  	_ =	shalt  }
0x40: {  	_ =	shalt  }
0x41: {  	_ =	shalt  }
0x42: {  	_ =	shalt  }
0x43: {  	_ =	shalt  }
0x44: {  	_ =	shalt  }
0x45: {  	_ =	shalt  }
0x46: {  	_ =	shalt  }
0x47: {  	_ =	shalt  }
0x48: {  	_ =	shalt  }
0x49: {  	_ =	shalt  }
0x4a: {  	_ =	shalt  }
0x4b: {  	_ =	shalt  }
0x4c: {  	_ =	shalt  }
0x4d: {  	_ =	shalt  }
0x4e: {  	_ =	shalt  }
0x4f: {  	_ =	shalt  }
0x50: {  	_ =	shalt  }
0x51: {  	_ =	shalt  }
0x52: {  	_ =	shalt  }
0x53: {  	_ =	shalt  }
0x54: {  	_ =	shalt  }
0x55: {  	_ =	shalt  }
0x56: {  	_ =	shalt  }
0x57: {  	_ =	shalt  }
0x58: {  	_ =	shalt  }
0x59: {  	_ =	shalt  }
0x5a: {  	_ =	shalt  }
0x5b: {  	_ =	shalt  }
0x5c: {  	_ =	shalt  }
0x5d: {  	_ =	shalt  }
0x5e: {  	_ =	shalt  }
0x5f: {  	_ =	shalt  }
0x60: {  	_ =	shalt  }
0x61: {  	_ =	shalt  }
0x62: {  	_ =	shalt  }
0x63: {  	_ =	shalt  }
0x64: {  	_ =	shalt  }
0x65: {  	_ =	shalt  }
0x66: {  	_ =	shalt  }
0x67: {  	_ =	shalt  }
0x68: {  	_ =	shalt  }
0x69: {  	_ =	shalt  }
0x6a: {  	_ =	shalt  }
0x6b: {  	_ =	shalt  }
0x6c: {  	_ =	shalt  }
0x6d: {  	_ =	shalt  }
0x6e: {  	_ =	shalt  }
0x6f: {  	_ =	shalt  }
0x70: {  	_ =	shalt  }
0x71: {  	_ =	shalt  }
0x72: {  	_ =	shalt  }
0x73: {  	_ =	shalt  }
0x74: {  	_ =	shalt  }
0x75: {  	_ =	shalt  }
0x76: {  	_ =	shalt  }
0x77: {  	_ =	shalt  }
0x78: {  	_ =	shalt  }
0x79: {  	_ =	shalt  }
0x7a: {  	_ =	shalt  }
0x7b: {  	_ =	shalt  }
0x7c: {  	_ =	shalt  }
0x7d: {  	_ =	shalt  }
0x7e: {  	_ =	shalt  }
0x7f: {  	_ =	shalt  }
0x80: {  	_ =	shalt  }
0x81: {  	_ =	shalt  }
0x82: {  	_ =	shalt  }
0x83: {  	_ =	shalt  }
0x84: {  	_ =	shalt  }
0x85: {  	_ =	shalt  }
0x86: {  	_ =	shalt  }
0x87: {  	_ =	shalt  }
.Lfunc_end0:
.L_simem_size_0:
called_computation.1_lowered:
.L_overlay_start_0:
0x88: {  	s2 =	sld [smem:$0x3FD9]  }
0x89: {  	s3 =	sld [smem:$0x3FFE];
	_ =	sdelay $0x1  }
0x8a: {  	s1 =	srdreg.scid  }
0x8b: {  	s0 =	sand.u32 $0x1, s1  }
0x8c: {  	s17 =	sshll.u32 s0, $0xA;
	s2 =	sadd.s32 s3, s2  }
0x8d: {  	s2 =	sadd.s32 s2, s17  }
0x8e: {  	[smem:$0x3FC6] =	sst s2  }
0x8f: {  	_ = 	snop  }
0x90: {  	s2 =	sld [smem:$0x3FC9]  }
0x91: {  	s18 =	sld [smem:$0x3FD0];
	(tm) =	ssettm $0x1  }
0x92: {  	s4 =	sld [smem:$0x3FFB];
	_ =	sdelay $0x3  }
0x93: {  	_ =	strace s4  }
0x94: {  	s4 =	sld [smem:$0x3FFC];
	_ =	sdelay $0x3  }
0x95: {  	_ =	strace s4  }
0x96: {  	s4 =	sld [smem:$0x3FFD];
	_ =	sdelay $0x3  }
0x97: {  	_ =	strace s4  }
0x98: {  	_ =	strace $0x8FFFFFFF  }
0x99: {  	s19 =	sld [smem:$0x3FDB];
	_ =	sdelay $0x1  }
0x9a: {  	s5 =	simm.s32 $_scs_section_size  }
0x9b: {  	s6 =	simm.s32 $_size__tile_overlayer_lowered;
	s7 =	simm.s32 $_tile_overlayer_lowered  }
0x9c: {  	s22 =	simm.s32 $0x1BFF;
	s21 =	sshll.u32 s7, $0x1;
	s4 =	sadd.s32 s5, s19  }
0x9d: {  	s8 =	simm.s32 $0x0;
	s20 =	sshll.u32 s6, $0x1;
	s6 =	sadd.s32 s21, s4  }
0x9e: {  	[timem:s8], [sflag:s22] =	dma.local [hbm:s6], s20  }
0x9f: {  	_ =	swait.ge [sflag:s22], s20  }
0xa0: {  	s5 =	ssub.s32 $0x0, s20;
	[sflag:s22] =	ssyncset.done $0x0  }
0xa1: {  	[sflag:s22] =	ssyncadd.s32 s5;
	_ =	sdelay $0x1  }
0xa2: {  	s23 =	simm.s32 $0x1B8B  }
0xa3: {  	_ =	swait.ge [sflag:s23], $0x1  }
0xa4: {  	[sflag:s23] =	ssyncset.done $0x0  }
0xa5: {  	s25 =	simm.s32 $0x1B8E;
	s24 =	sld [smem:$0x3FFE];
	[sflag:s23] =	ssyncadd.s32 $0xFFFFFFFF  }
0xa6: {  	s26 =	simm.s32 $execute0_lowered;
	[smem:$0x3FD2] =	sst s25  }
0xa7: {  	s6 =	sshll.u32 s26, $0x1;
	_ =	strace $0x80000046;
	[dreg:$0x1] =	wrdreg $0xFFFFFFFF  }
0xa8: {  	s28 =	simm.s32 $_size_execute0_lowered;
	s4 =	sadd.s32 s4, s6;
	[dreg:$0x0] =	wrdreg $0x0  }
0xa9: {  	s6 =	sshll.u32 s28, $0x1;
	[dreg:$0x2] =	wrdreg s4  }
0xaa: {  	[dreg:$0x3] =	wrdreg s6  }
0xab: {  	[dreg:$0x4] =	wrdreg $0xC0  }
0xac: {  	_ =	task [dreg:s8], $0x5FFFF  }
0xad: {  	[dreg:$0x1] =	wrdreg $0xFFFFFFFF  }
0xae: {  	[dreg:$0x0] =	wrdreg $0x60  }
0xaf: {  	[dreg:$0x2] =	wrdreg s2  }
0xb0: {  	[dreg:$0x3] =	wrdreg s24  }
0xb1: {  	[dreg:$0x4] =	wrdreg s18  }
0xb2: {  	[dreg:$0x5] =	wrdreg $0x9  }
0xb3: {  	_ =	task.clear_ibuf [dreg:s8], $0x6FFFF;
	_ =	strace $0x90000046  }
0xb4: {  	s29 =	simm.s32 $0x9;
	_ =	strace $0x80000048  }
0xb5: {  	_ =	swait.ge [sflag:s29], $0x1  }
0xb6: {  	[sflag:s29] =	ssyncadd.s32 $0xFFFFFFFF  }
0xb7: {  	_ =	strace $0x90000048  }
0xb8: {  	_ =	sfence  }
0xb9: {  	s30 =	sld [smem:$0x0];
	_ =	sdelay $0x2  }
0xba: {  	s31 =	sshll.u32 s1, $0xD;
	s1 =	sshrl.u32 s1, $0x2  }
0xbb: {  	s3 =	sand.u32 $0x4000, s31;
	s1 =	sadd.s32 s1, s30  }
0xbc: {  	s0 =	sor.u32 s3, s0;
	s1 =	sshll.u32 s1, $0x11  }
0xbd: {  	s0 =	sor.u32 s1, s0  }
0xbe: {  	s0 =	sadd.s32 $0x8F2B, s0  }
0xbf: {  	[sflag:s0] =	ssyncadd.remote.s32 $0x1  }
0xc0: {  	_ =	sfence.sel $0xFFFF  }
0xc1: {  	[dreg:$0x0] =	wrdreg $0xFFFFFFFF;
	(pc) =	sbr.abs _section_cstart, $3  }
0xc2: {  	[dreg:$0x1] =	wrdreg $0xFFFFFFFF  }
0xc3: {  	_ =	task.clear_ibuf [dreg:s8], $0x2FFFF;
	_ =	strace $0x9FFFFFFF  }
0xc4: {  	(tm) =	ssettm $0x7FFFFFFF  }
0xc5: {  	_ =	shalt  }
tec
execute0_lowered:
.L_overlay_start_1:
0x0: {  	(tag) =	ssettag $0x1  }
0x1: {  	s1 =	rddreg [dreg:$0x0]  }
0x2: {  	s2 =	rddreg [dreg:$0x1];
	s3 =	srdreg.scid  }
0x3: {  	s0 =	stileid.u32;
	s5 =	rddreg [dreg:$0x2];
	s22 =	simm.s32 $0x680  }
0x4: {  	s23 =	simm.s32 $0x1;
	s24 =	simm.s32 $0xD00;
	s25 =	simm.s32 $0xDD00  }
0x5: {  	s26 =	simm.s32 $0x2;
	s28 =	simm.s32 $0x3;
	s29 =	simm.s32 $0x0  }
0x6: {  	s8 =	sand.u32 $0x1, s3;
	s4 =	sshll.u32 s0, $0x1;
	s13 =	smul.u32 $0x6800, s0  }
0x7: {  	s3 =	simm.s32 $0x0;
	s4 =	sor.u32 s8, s4;
	s14 =	smul.u32 $0x3400, s8  }
0x8: {  	[smem:$0x7FF] =	sst s3;
	s6 =	ssub.s32 $0x2, s8;
	s7 =	smul.u32 $0xD000, s4  }
0x9: {  	_ =	strace $0x80000047;
	s4 =	sadd.s32 $0x2ABA000, s2;
	s31 =	sshrl.u32 s6, $0x1  }
0xa: {  	s2 =	ssub.s32 s6, s31;
	s13 =	sadd.s32 s14, s13;
	s5 =	sadd.s32 s5, s7  }
0xb: {  	s14 =	smax.u32 s2, $0x1;
	s15 =	sadd.s32 $0x680, s13;
	s16 =	sadd.s32 $0xD00, s13  }
0xc: {  	s17 =	sadd.s32 $0x1380, s13;
	s18 =	sadd.s32 $0x1A00, s13;
	s19 =	sadd.s32 $0x2080, s13  }
0xd: {  	s20 =	sadd.s32 $0x2700, s13;
	s21 =	sadd.s32 $0x2D80, s13;
	s6 =	sadd.s32 $0x1A00, s5  }
0xe: {  	v0 =	vlaneseq.u32;
	s7 =	sadd.s32 $0x3400, s5;
	s8 =	sadd.s32 $0x4E00, s5;
	s9 =	sadd.s32 $0x6800, s5  }
0xf: {  	v1 =	vand.u32 $0x3, v0;
	s10 =	sadd.s32 $0x8200, s5;
	s11 =	sadd.s32 $0x9C00, s5;
	s12 =	sadd.s32 $0xB600, s5  }
.LBB2_1:
0x10: {  	v2 =	vor.u32 s13, v0  }
0x11: {  	v2 =	vshrl.u32 v2, $0x2  }
0x12: {  	v3 =	vmov s13;
	v2 =	vand.u32 $0x1FFF, v2  }
0x13: {  	v3 =	vshrl.u32 v3, $0xD;
	v2 =	vmul.u32 $0x34, v2  }
0x14: {  	v3 =	vand.u32 $0x3FFFC, v3  }
0x15: {  	s30 =	simm.s32 $0x40;
	s2 =	sadd.s32 $0x10, s13;
	s31 =	simm.s32 $0x0;
	v2 =	vadd.s32 v3, v2  }
.LBB2_2:
0x16: {  	p0 =	sne.s32 s30, $0x19C0  }
0x17: {  	v3 =	vor.u32 s2, v0;
	v2 =	vor.u32 v1, v2;
	s0 =	sshra.s32 s31, $0x2;
	s31 =	smov.u32 s30;
	s30 =	sadd.s32 $0x40, s30  }
.Ltmp0:
0x18: {  	v3 =	vshrl.u32 v3, $0x2;
	[tilespmem:s0+$0x0] =	vst v2;
	(pc) =	sbr.rel @p0 .LBB2_2-.Ltmp0, $4  }
0x19: {  	v2 =	vmov s2;
	v3 =	vand.u32 $0x1FFF, v3  }
0x1a: {  	v2 =	vshrl.u32 v2, $0xD;
	v3 =	vmul.u32 $0x34, v3  }
0x1b: {  	v2 =	vand.u32 $0x3FFFC, v2  }
0x1c: {  	s2 =	sadd.s32 $0x10, s2;
	v2 =	vadd.s32 v2, v3  }
0x1d: {  	v2 =	vor.u32 v1, v2;
	s0 =	sshra.s32 s31, $0x2  }
0x1e: {  	s30 =	simm.s32 $0x0;
	[tilespmem:s0+$0x0] =	vst v2  }
0x1f: {  	[tilespmem:s22], [sflag:$0x1] =	stream.indirect.gather [hbm4b:s1+s22], $0x1, s30, s22, $0xb8;
	[tilespmem:$0x1AD00] =	vst v63  }
0x20: {  	_ =	swait.ge [sflag:s23], $0x680  }
0x21: {  	[sflag:s23] =	ssyncset.done $0x0  }
0x22: {  	v2 =	vor.u32 s15, v0;
	[sflag:s23] =	ssyncadd.s32 $0xFFFFF980  }
0x23: {  	v2 =	vshrl.u32 v2, $0x2;
	[tilespmem:s24], [sflag:$0x1] =	stream.indirect.gather [hbm4b:s4+s22], $0x20, s22, s22, $0xb8;
	[tilespmem:$0x1AD00] =	vst v63  }
0x24: {  	v3 =	vmov s15;
	v2 =	vand.u32 $0x1FFF, v2;
	_ =	swait.ge [sflag:s23], $0xD000  }
0x25: {  	v3 =	vshrl.u32 v3, $0xD;
	v2 =	vmul.u32 $0x34, v2;
	[sflag:s23] =	ssyncset.done $0x0  }
0x26: {  	s31 =	simm.s32 $0x40;
	s2 =	sadd.s32 $0x10, s15;
	v3 =	vand.u32 $0x3FFFC, v3;
	[sflag:s23] =	ssyncadd.s32 $0xFFFF3000  }
0x27: {  	v2 =	vadd.s32 v3, v2;
	[hbm4b:s5+s30] =	stream.linear.scatter [tilespmem:s24], [sflag:$0x2], $0xD000, $0x38;
	[tilespmem:$0x1AD00] =	vst v63  }
.LBB2_4:
0x28: {  	p0 =	sne.s32 s31, $0x19C0  }
0x29: {  	v3 =	vor.u32 s2, v0;
	v2 =	vor.u32 v1, v2;
	s0 =	sshra.s32 s30, $0x2;
	s30 =	smov.u32 s31;
	s31 =	sadd.s32 $0x40, s31  }
.Ltmp1:
0x2a: {  	v3 =	vshrl.u32 v3, $0x2;
	[tilespmem:s0+$0x0] =	vst v2;
	(pc) =	sbr.rel @p0 .LBB2_4-.Ltmp1, $4  }
0x2b: {  	v2 =	vmov s2;
	v3 =	vand.u32 $0x1FFF, v3  }
0x2c: {  	v2 =	vshrl.u32 v2, $0xD;
	v3 =	vmul.u32 $0x34, v3  }
0x2d: {  	v2 =	vand.u32 $0x3FFFC, v2  }
0x2e: {  	s2 =	sadd.s32 $0x10, s2;
	v2 =	vadd.s32 v2, v3  }
0x2f: {  	v2 =	vor.u32 v1, v2;
	s0 =	sshra.s32 s30, $0x2  }
0x30: {  	s30 =	simm.s32 $0x0;
	[tilespmem:s0+$0x0] =	vst v2  }
0x31: {  	[tilespmem:s22], [sflag:$0x1] =	stream.indirect.gather [hbm4b:s1+s22], $0x1, s30, s22, $0xb8;
	[tilespmem:$0x1AD00] =	vst v63  }
0x32: {  	_ =	swait.ge [sflag:s23], $0x680  }
0x33: {  	[sflag:s23] =	ssyncset.done $0x0  }
0x34: {  	v2 =	vor.u32 s16, v0;
	[sflag:s23] =	ssyncadd.s32 $0xFFFFF980  }
0x35: {  	v2 =	vshrl.u32 v2, $0x2;
	[tilespmem:s25], [sflag:$0x1] =	stream.indirect.gather [hbm4b:s4+s22], $0x20, s22, s22, $0xb8;
	[tilespmem:$0x1AD00] =	vst v63  }
0x36: {  	v3 =	vmov s16;
	v2 =	vand.u32 $0x1FFF, v2;
	_ =	swait.ge [sflag:s23], $0xD000  }
0x37: {  	v3 =	vshrl.u32 v3, $0xD;
	v2 =	vmul.u32 $0x34, v2;
	[sflag:s23] =	ssyncset.done $0x0  }
0x38: {  	s31 =	simm.s32 $0x40;
	s2 =	sadd.s32 $0x10, s16;
	v3 =	vand.u32 $0x3FFFC, v3;
	[sflag:s23] =	ssyncadd.s32 $0xFFFF3000  }
0x39: {  	v2 =	vadd.s32 v3, v2;
	[hbm4b:s6+s30] =	stream.linear.scatter [tilespmem:s25], [sflag:$0x3], $0xD000, $0x38;
	[tilespmem:$0x1AD00] =	vst v63  }
.LBB2_6:
0x3a: {  	p0 =	sne.s32 s31, $0x19C0  }
0x3b: {  	v3 =	vor.u32 s2, v0;
	v2 =	vor.u32 v1, v2;
	s0 =	sshra.s32 s30, $0x2;
	s30 =	smov.u32 s31;
	s31 =	sadd.s32 $0x40, s31  }
.Ltmp2:
0x3c: {  	v3 =	vshrl.u32 v3, $0x2;
	[tilespmem:s0+$0x0] =	vst v2;
	(pc) =	sbr.rel @p0 .LBB2_6-.Ltmp2, $4  }
0x3d: {  	v2 =	vmov s2;
	v3 =	vand.u32 $0x1FFF, v3  }
0x3e: {  	v2 =	vshrl.u32 v2, $0xD;
	v3 =	vmul.u32 $0x34, v3  }
0x3f: {  	v2 =	vand.u32 $0x3FFFC, v2  }
0x40: {  	s2 =	sadd.s32 $0x10, s2;
	v2 =	vadd.s32 v2, v3  }
0x41: {  	v2 =	vor.u32 v1, v2;
	s0 =	sshra.s32 s30, $0x2  }
0x42: {  	s30 =	simm.s32 $0x0;
	[tilespmem:s0+$0x0] =	vst v2  }
0x43: {  	[tilespmem:s22], [sflag:$0x1] =	stream.indirect.gather [hbm4b:s1+s22], $0x1, s30, s22, $0xb8;
	[tilespmem:$0x1AD00] =	vst v63  }
0x44: {  	_ =	swait.ge [sflag:s23], $0x680  }
0x45: {  	[sflag:s23] =	ssyncset.done $0x0  }
0x46: {  	[sflag:s23] =	ssyncadd.s32 $0xFFFFF980  }
0x47: {  	_ =	swait.ge [sflag:s26], $0xD000  }
0x48: {  	[sflag:s26] =	ssyncset.done $0x0  }
0x49: {  	v2 =	vor.u32 s17, v0;
	[sflag:s26] =	ssyncadd.s32 $0xFFFF3000  }
0x4a: {  	v2 =	vshrl.u32 v2, $0x2;
	[tilespmem:s24], [sflag:$0x1] =	stream.indirect.gather [hbm4b:s4+s22], $0x20, s22, s22, $0xb8;
	[tilespmem:$0x1AD00] =	vst v63  }
0x4b: {  	v3 =	vmov s17;
	v2 =	vand.u32 $0x1FFF, v2;
	_ =	swait.ge [sflag:s23], $0xD000  }
0x4c: {  	v3 =	vshrl.u32 v3, $0xD;
	v2 =	vmul.u32 $0x34, v2;
	[sflag:s23] =	ssyncset.done $0x0  }
0x4d: {  	s31 =	simm.s32 $0x40;
	s2 =	sadd.s32 $0x10, s17;
	v3 =	vand.u32 $0x3FFFC, v3;
	[sflag:s23] =	ssyncadd.s32 $0xFFFF3000  }
0x4e: {  	v2 =	vadd.s32 v3, v2;
	[hbm4b:s7+s30] =	stream.linear.scatter [tilespmem:s24], [sflag:$0x2], $0xD000, $0x38;
	[tilespmem:$0x1AD00] =	vst v63  }
.LBB2_8:
0x4f: {  	p0 =	sne.s32 s31, $0x19C0  }
0x50: {  	v3 =	vor.u32 s2, v0;
	v2 =	vor.u32 v1, v2;
	s0 =	sshra.s32 s30, $0x2;
	s30 =	smov.u32 s31;
	s31 =	sadd.s32 $0x40, s31  }
.Ltmp3:
0x51: {  	v3 =	vshrl.u32 v3, $0x2;
	[tilespmem:s0+$0x0] =	vst v2;
	(pc) =	sbr.rel @p0 .LBB2_8-.Ltmp3, $4  }
0x52: {  	v2 =	vmov s2;
	v3 =	vand.u32 $0x1FFF, v3  }
0x53: {  	v2 =	vshrl.u32 v2, $0xD;
	v3 =	vmul.u32 $0x34, v3  }
0x54: {  	v2 =	vand.u32 $0x3FFFC, v2  }
0x55: {  	s2 =	sadd.s32 $0x10, s2;
	v2 =	vadd.s32 v2, v3  }
0x56: {  	v2 =	vor.u32 v1, v2;
	s0 =	sshra.s32 s30, $0x2  }
0x57: {  	s30 =	simm.s32 $0x0;
	[tilespmem:s0+$0x0] =	vst v2  }
0x58: {  	[tilespmem:s22], [sflag:$0x1] =	stream.indirect.gather [hbm4b:s1+s22], $0x1, s30, s22, $0xb8;
	[tilespmem:$0x1AD00] =	vst v63  }
0x59: {  	_ =	swait.ge [sflag:s23], $0x680  }
0x5a: {  	[sflag:s23] =	ssyncset.done $0x0  }
0x5b: {  	[sflag:s23] =	ssyncadd.s32 $0xFFFFF980  }
0x5c: {  	_ =	swait.ge [sflag:s28], $0xD000  }
0x5d: {  	[sflag:s28] =	ssyncset.done $0x0  }
0x5e: {  	v2 =	vor.u32 s18, v0;
	[sflag:s28] =	ssyncadd.s32 $0xFFFF3000  }
0x5f: {  	v2 =	vshrl.u32 v2, $0x2;
	[tilespmem:s25], [sflag:$0x1] =	stream.indirect.gather [hbm4b:s4+s22], $0x20, s22, s22, $0xb8;
	[tilespmem:$0x1AD00] =	vst v63  }
0x60: {  	v3 =	vmov s18;
	v2 =	vand.u32 $0x1FFF, v2;
	_ =	swait.ge [sflag:s23], $0xD000  }
0x61: {  	v3 =	vshrl.u32 v3, $0xD;
	v2 =	vmul.u32 $0x34, v2;
	[sflag:s23] =	ssyncset.done $0x0  }
0x62: {  	s31 =	simm.s32 $0x40;
	s2 =	sadd.s32 $0x10, s18;
	v3 =	vand.u32 $0x3FFFC, v3;
	[sflag:s23] =	ssyncadd.s32 $0xFFFF3000  }
0x63: {  	v2 =	vadd.s32 v3, v2;
	[hbm4b:s8+s30] =	stream.linear.scatter [tilespmem:s25], [sflag:$0x3], $0xD000, $0x38;
	[tilespmem:$0x1AD00] =	vst v63  }
.LBB2_10:
0x64: {  	p0 =	sne.s32 s31, $0x19C0  }
0x65: {  	v3 =	vor.u32 s2, v0;
	v2 =	vor.u32 v1, v2;
	s0 =	sshra.s32 s30, $0x2;
	s30 =	smov.u32 s31;
	s31 =	sadd.s32 $0x40, s31  }
.Ltmp4:
0x66: {  	v3 =	vshrl.u32 v3, $0x2;
	[tilespmem:s0+$0x0] =	vst v2;
	(pc) =	sbr.rel @p0 .LBB2_10-.Ltmp4, $4  }
0x67: {  	v2 =	vmov s2;
	v3 =	vand.u32 $0x1FFF, v3  }
0x68: {  	v2 =	vshrl.u32 v2, $0xD;
	v3 =	vmul.u32 $0x34, v3  }
0x69: {  	v2 =	vand.u32 $0x3FFFC, v2  }
0x6a: {  	s2 =	sadd.s32 $0x10, s2;
	v2 =	vadd.s32 v2, v3  }
0x6b: {  	v2 =	vor.u32 v1, v2;
	s0 =	sshra.s32 s30, $0x2  }
0x6c: {  	s30 =	simm.s32 $0x0;
	[tilespmem:s0+$0x0] =	vst v2  }
0x6d: {  	[tilespmem:s22], [sflag:$0x1] =	stream.indirect.gather [hbm4b:s1+s22], $0x1, s30, s22, $0xb8;
	[tilespmem:$0x1AD00] =	vst v63  }
0x6e: {  	_ =	swait.ge [sflag:s23], $0x680  }
0x6f: {  	[sflag:s23] =	ssyncset.done $0x0  }
0x70: {  	[sflag:s23] =	ssyncadd.s32 $0xFFFFF980  }
0x71: {  	_ =	swait.ge [sflag:s26], $0xD000  }
0x72: {  	[sflag:s26] =	ssyncset.done $0x0  }
0x73: {  	v2 =	vor.u32 s19, v0;
	[sflag:s26] =	ssyncadd.s32 $0xFFFF3000  }
0x74: {  	v2 =	vshrl.u32 v2, $0x2;
	[tilespmem:s24], [sflag:$0x1] =	stream.indirect.gather [hbm4b:s4+s22], $0x20, s22, s22, $0xb8;
	[tilespmem:$0x1AD00] =	vst v63  }
0x75: {  	v3 =	vmov s19;
	v2 =	vand.u32 $0x1FFF, v2;
	_ =	swait.ge [sflag:s23], $0xD000  }
0x76: {  	v3 =	vshrl.u32 v3, $0xD;
	v2 =	vmul.u32 $0x34, v2;
	[sflag:s23] =	ssyncset.done $0x0  }
0x77: {  	s31 =	simm.s32 $0x40;
	s2 =	sadd.s32 $0x10, s19;
	v3 =	vand.u32 $0x3FFFC, v3;
	[sflag:s23] =	ssyncadd.s32 $0xFFFF3000  }
0x78: {  	v2 =	vadd.s32 v3, v2;
	[hbm4b:s9+s30] =	stream.linear.scatter [tilespmem:s24], [sflag:$0x2], $0xD000, $0x38;
	[tilespmem:$0x1AD00] =	vst v63  }
.LBB2_12:
0x79: {  	p0 =	sne.s32 s31, $0x19C0  }
0x7a: {  	v3 =	vor.u32 s2, v0;
	v2 =	vor.u32 v1, v2;
	s0 =	sshra.s32 s30, $0x2;
	s30 =	smov.u32 s31;
	s31 =	sadd.s32 $0x40, s31  }
.Ltmp5:
0x7b: {  	v3 =	vshrl.u32 v3, $0x2;
	[tilespmem:s0+$0x0] =	vst v2;
	(pc) =	sbr.rel @p0 .LBB2_12-.Ltmp5, $4  }
0x7c: {  	v2 =	vmov s2;
	v3 =	vand.u32 $0x1FFF, v3  }
0x7d: {  	v2 =	vshrl.u32 v2, $0xD;
	v3 =	vmul.u32 $0x34, v3  }
0x7e: {  	v2 =	vand.u32 $0x3FFFC, v2  }
0x7f: {  	s2 =	sadd.s32 $0x10, s2;
	v2 =	vadd.s32 v2, v3  }
0x80: {  	v2 =	vor.u32 v1, v2;
	s0 =	sshra.s32 s30, $0x2  }
0x81: {  	s30 =	simm.s32 $0x0;
	[tilespmem:s0+$0x0] =	vst v2  }
0x82: {  	[tilespmem:s22], [sflag:$0x1] =	stream.indirect.gather [hbm4b:s1+s22], $0x1, s30, s22, $0xb8;
	[tilespmem:$0x1AD00] =	vst v63  }
0x83: {  	_ =	swait.ge [sflag:s23], $0x680  }
0x84: {  	[sflag:s23] =	ssyncset.done $0x0  }
0x85: {  	[sflag:s23] =	ssyncadd.s32 $0xFFFFF980  }
0x86: {  	_ =	swait.ge [sflag:s28], $0xD000  }
0x87: {  	[sflag:s28] =	ssyncset.done $0x0  }
0x88: {  	v2 =	vor.u32 s20, v0;
	[sflag:s28] =	ssyncadd.s32 $0xFFFF3000  }
0x89: {  	v2 =	vshrl.u32 v2, $0x2;
	[tilespmem:s25], [sflag:$0x1] =	stream.indirect.gather [hbm4b:s4+s22], $0x20, s22, s22, $0xb8;
	[tilespmem:$0x1AD00] =	vst v63  }
0x8a: {  	v3 =	vmov s20;
	v2 =	vand.u32 $0x1FFF, v2;
	_ =	swait.ge [sflag:s23], $0xD000  }
0x8b: {  	v3 =	vshrl.u32 v3, $0xD;
	v2 =	vmul.u32 $0x34, v2;
	[sflag:s23] =	ssyncset.done $0x0  }
0x8c: {  	s31 =	simm.s32 $0x40;
	s2 =	sadd.s32 $0x10, s20;
	v3 =	vand.u32 $0x3FFFC, v3;
	[sflag:s23] =	ssyncadd.s32 $0xFFFF3000  }
0x8d: {  	v2 =	vadd.s32 v3, v2;
	[hbm4b:s10+s30] =	stream.linear.scatter [tilespmem:s25], [sflag:$0x3], $0xD000, $0x38;
	[tilespmem:$0x1AD00] =	vst v63  }
.LBB2_14:
0x8e: {  	p0 =	sne.s32 s31, $0x19C0  }
0x8f: {  	v3 =	vor.u32 s2, v0;
	v2 =	vor.u32 v1, v2;
	s0 =	sshra.s32 s30, $0x2;
	s30 =	smov.u32 s31;
	s31 =	sadd.s32 $0x40, s31  }
.Ltmp6:
0x90: {  	v3 =	vshrl.u32 v3, $0x2;
	[tilespmem:s0+$0x0] =	vst v2;
	(pc) =	sbr.rel @p0 .LBB2_14-.Ltmp6, $4  }
0x91: {  	v2 =	vmov s2;
	v3 =	vand.u32 $0x1FFF, v3  }
0x92: {  	v2 =	vshrl.u32 v2, $0xD;
	v3 =	vmul.u32 $0x34, v3  }
0x93: {  	v2 =	vand.u32 $0x3FFFC, v2  }
0x94: {  	s2 =	sadd.s32 $0x10, s2;
	v2 =	vadd.s32 v2, v3  }
0x95: {  	v2 =	vor.u32 v1, v2;
	s0 =	sshra.s32 s30, $0x2  }
0x96: {  	s30 =	simm.s32 $0x0;
	[tilespmem:s0+$0x0] =	vst v2  }
0x97: {  	[tilespmem:s22], [sflag:$0x1] =	stream.indirect.gather [hbm4b:s1+s22], $0x1, s30, s22, $0xb8;
	[tilespmem:$0x1AD00] =	vst v63  }
0x98: {  	_ =	swait.ge [sflag:s23], $0x680  }
0x99: {  	[sflag:s23] =	ssyncset.done $0x0  }
0x9a: {  	[sflag:s23] =	ssyncadd.s32 $0xFFFFF980  }
0x9b: {  	_ =	swait.ge [sflag:s26], $0xD000  }
0x9c: {  	[sflag:s26] =	ssyncset.done $0x0  }
0x9d: {  	v2 =	vor.u32 s21, v0;
	[sflag:s26] =	ssyncadd.s32 $0xFFFF3000  }
0x9e: {  	v2 =	vshrl.u32 v2, $0x2;
	[tilespmem:s24], [sflag:$0x1] =	stream.indirect.gather [hbm4b:s4+s22], $0x20, s22, s22, $0xb8;
	[tilespmem:$0x1AD00] =	vst v63  }
0x9f: {  	v3 =	vmov s21;
	v2 =	vand.u32 $0x1FFF, v2;
	_ =	swait.ge [sflag:s23], $0xD000  }
0xa0: {  	v3 =	vshrl.u32 v3, $0xD;
	v2 =	vmul.u32 $0x34, v2;
	[sflag:s23] =	ssyncset.done $0x0  }
0xa1: {  	s31 =	simm.s32 $0x40;
	s2 =	sadd.s32 $0x10, s21;
	v3 =	vand.u32 $0x3FFFC, v3;
	[sflag:s23] =	ssyncadd.s32 $0xFFFF3000  }
0xa2: {  	v2 =	vadd.s32 v3, v2;
	[hbm4b:s11+s30] =	stream.linear.scatter [tilespmem:s24], [sflag:$0x2], $0xD000, $0x38;
	[tilespmem:$0x1AD00] =	vst v63  }
.LBB2_16:
0xa3: {  	p0 =	sne.s32 s31, $0x19C0  }
0xa4: {  	v3 =	vor.u32 s2, v0;
	v2 =	vor.u32 v1, v2;
	s0 =	sshra.s32 s30, $0x2;
	s30 =	smov.u32 s31;
	s31 =	sadd.s32 $0x40, s31  }
.Ltmp7:
0xa5: {  	v3 =	vshrl.u32 v3, $0x2;
	[tilespmem:s0+$0x0] =	vst v2;
	(pc) =	sbr.rel @p0 .LBB2_16-.Ltmp7, $4  }
0xa6: {  	v2 =	vmov s2;
	v3 =	vand.u32 $0x1FFF, v3  }
0xa7: {  	v2 =	vshrl.u32 v2, $0xD;
	v3 =	vmul.u32 $0x34, v3  }
0xa8: {  	v2 =	vand.u32 $0x3FFFC, v2  }
0xa9: {  	s2 =	sadd.s32 $0x10, s2;
	v2 =	vadd.s32 v2, v3  }
0xaa: {  	v2 =	vor.u32 v1, v2;
	s0 =	sshra.s32 s30, $0x2  }
0xab: {  	[tilespmem:s0+$0x0] =	vst v2  }
0xac: {  	[tilespmem:s22], [sflag:$0x1] =	stream.indirect.gather [hbm4b:s1+s22], $0x1, s3, s22, $0xb8;
	[tilespmem:$0x1AD00] =	vst v63  }
0xad: {  	_ =	swait.ge [sflag:s23], $0x680  }
0xae: {  	[sflag:s23] =	ssyncset.done $0x0  }
0xaf: {  	[sflag:s23] =	ssyncadd.s32 $0xFFFFF980  }
0xb0: {  	_ =	swait.ge [sflag:s28], $0xD000  }
0xb1: {  	[sflag:s28] =	ssyncset.done $0x0  }
0xb2: {  	[sflag:s28] =	ssyncadd.s32 $0xFFFF3000  }
0xb3: {  	[tilespmem:s25], [sflag:$0x1] =	stream.indirect.gather [hbm4b:s4+s22], $0x20, s22, s22, $0xb8;
	[tilespmem:$0x1AD00] =	vst v63  }
0xb4: {  	_ =	swait.ge [sflag:s23], $0xD000  }
0xb5: {  	[sflag:s23] =	ssyncset.done $0x0  }
0xb6: {  	s29 =	sadd.s32 $0x1, s29;
	[sflag:s23] =	ssyncadd.s32 $0xFFFF3000  }
0xb7: {  	[hbm4b:s12+s3] =	stream.linear.scatter [tilespmem:s25], [sflag:$0x3], $0xD000, $0x38;
	[tilespmem:$0x1AD00] =	vst v63  }
0xb8: {  	p0 =	sne.s32 s29, s14;
	_ =	swait.ge [sflag:s26], $0xD000  }
.Ltmp8:
0xb9: {  	[sflag:s26] =	ssyncset.done $0x0;
	(pc) =	sbr.rel @p0 .LBB2_1-.Ltmp8, $4  }
0xba: {  	[sflag:s26] =	ssyncadd.s32 $0xFFFF3000  }
0xbb: {  	_ =	swait.ge [sflag:s28], $0xD000  }
0xbc: {  	[sflag:s28] =	ssyncset.done $0x0  }
0xbd: {  	[sflag:s28] =	ssyncadd.s32 $0xFFFF3000  }
0xbe: {  	_ =	sfence.sel $0x180000  }
0xbf: {  	[bflag:$0x0] =	sbarrier.arrive $0xFFFF  }
0xc0: {  	_ =	strace $0x90000047  }
0xc1: {  	s0 =	stileid.u32;
	[bflag:$0x2] =	sbarrier.arrive $0xFFFF  }
0xc2: {  	p0 =	sne.s32 s0, $0x0;
	s0 =	rddreg [dreg:$0x3]  }
0xc3: {  	s0 =	sadd.s32 @!p0 $0x100000, s0  }
0xc4: {  	[sflag:s0] =	ssyncadd.tile.s32 @!p0 $0x1;
	_ =	shalt  }
.Lfunc_end2:
_tile_overlayer_lowered:
.L_overlay_start_2:
0xc5: {  	(tag) =	ssettag $0x2  }
0xc6: {  	s0 =	rddreg [dreg:$0x0];
	s2 =	stileid.u32  }
0xc7: {  	s1 =	rddreg [dreg:$0x1];
	p0 =	sne.s32 s2, $0x0  }
0xc8: {  	s3 =	rddreg [dreg:$0x2];
	[bflag:$0x3] =	sbarrier.arrive $0xFFFF;
	s2 =	simm.s32 @!p0 $0x1C04  }
0xc9: {  	[timem:s3], [sflag:s2] =	dma.local @!p0 [hbm:s0], s1  }
0xca: {  	s0 =	simm.s32 @!p0 $0x4  }
0xcb: {  	_ =	swait.ge @!p0 [sflag:s0], s1  }
0xcc: {  	s1 =	ssub.s32 @!p0 $0x0, s1;
	[sflag:s0] =	ssyncset.done @!p0 $0x0  }
0xcd: {  	[sflag:s0] =	ssyncadd.s32 @!p0 s1  }
0xce: {  	[bflag:$0x3] =	sbarrier.arrive $0xFFFF  }
0xcf: {  	_ =	shalt  }

// kernel: sparse-core-data-format-call.cloned.1.call-start
scs
called_computation_lowered:
.L_overlay_start_0:
0x0: {  	s2 =	sld [smem:$0x3FD9]  }
0x1: {  	s3 =	sld [smem:$0x3FFE];
	_ =	sdelay $0x1  }
0x2: {  	s1 =	srdreg.scid  }
0x3: {  	s0 =	sand.u32 $0x1, s1  }
0x4: {  	s18 =	sshll.u32 s0, $0xA;
	s2 =	sadd.s32 s3, s2  }
0x5: {  	s2 =	sadd.s32 s2, s18  }
0x6: {  	[smem:$0x3FC6] =	sst s2  }
0x7: {  	_ = 	snop  }
0x8: {  	s2 =	sld [smem:$0x3FD0];
	(tm) =	ssettm $0x1  }
0x9: {  	s19 =	sld [smem:$0x3FFB];
	_ =	sdelay $0x3  }
0xa: {  	_ =	strace s19  }
0xb: {  	s3 =	sld [smem:$0x3FFC];
	_ =	sdelay $0x3  }
0xc: {  	_ =	strace s3  }
0xd: {  	s3 =	sld [smem:$0x3FFD];
	_ =	sdelay $0x3  }
0xe: {  	_ =	strace s3  }
0xf: {  	_ =	strace $0x8FFFFFFF  }
0x10: {  	s20 =	sld [smem:$0x3FDB];
	_ =	sdelay $0x1  }
0x11: {  	s4 =	simm.s32 $_scs_section_size  }
0x12: {  	s5 =	simm.s32 $_size__tile_overlayer_lowered;
	s6 =	simm.s32 $_tile_overlayer_lowered  }
0x13: {  	s23 =	simm.s32 $0x1BFF;
	s22 =	sshll.u32 s6, $0x1;
	s3 =	sadd.s32 s4, s20  }
0x14: {  	s7 =	simm.s32 $0x0;
	s21 =	sshll.u32 s5, $0x1;
	s5 =	sadd.s32 s22, s3  }
0x15: {  	[timem:s7], [sflag:s23] =	dma.local [hbm:s5], s21  }
0x16: {  	_ =	swait.ge [sflag:s23], s21  }
0x17: {  	s4 =	ssub.s32 $0x0, s21;
	[sflag:s23] =	ssyncset.done $0x0  }
0x18: {  	[sflag:s23] =	ssyncadd.s32 s4;
	_ =	sdelay $0x1  }
0x19: {  	s24 =	simm.s32 $0x1B8B  }
0x1a: {  	_ =	swait.ge [sflag:s24], $0x1  }
0x1b: {  	[sflag:s24] =	ssyncset.done $0x0  }
0x1c: {  	s26 =	simm.s32 $0x1B8E;
	s25 =	sld [smem:$0x3FFE];
	[sflag:s24] =	ssyncadd.s32 $0xFFFFFFFF  }
0x1d: {  	s27 =	simm.s32 $execute0_lowered;
	[smem:$0x3FD2] =	sst s26  }
0x1e: {  	s5 =	sshll.u32 s27, $0x1;
	_ =	strace $0x80000049;
	[dreg:$0x1] =	wrdreg $0xFFFFFFFF  }
0x1f: {  	s28 =	simm.s32 $_size_execute0_lowered;
	s3 =	sadd.s32 s3, s5;
	[dreg:$0x0] =	wrdreg $0x0  }
0x20: {  	s5 =	sshll.u32 s28, $0x1;
	[dreg:$0x2] =	wrdreg s3  }
0x21: {  	[dreg:$0x3] =	wrdreg s5  }
0x22: {  	[dreg:$0x4] =	wrdreg $0xC0  }
0x23: {  	_ =	task [dreg:s7], $0x5FFFF  }
0x24: {  	[dreg:$0x1] =	wrdreg $0xFFFFFFFF  }
0x25: {  	[dreg:$0x0] =	wrdreg $0x60  }
0x26: {  	[dreg:$0x2] =	wrdreg s25  }
0x27: {  	[dreg:$0x3] =	wrdreg s2  }
0x28: {  	[dreg:$0x4] =	wrdreg $0x9  }
0x29: {  	_ =	task.clear_ibuf [dreg:s7], $0x5FFFF;
	_ =	strace $0x90000049  }
0x2a: {  	s29 =	simm.s32 $0x9;
	_ =	strace $0x8000004B  }
0x2b: {  	_ =	swait.ge [sflag:s29], $0x1  }
0x2c: {  	[sflag:s29] =	ssyncadd.s32 $0xFFFFFFFF  }
0x2d: {  	_ =	strace $0x9000004B  }
0x2e: {  	_ =	sfence  }
0x2f: {  	s30 =	sld [smem:$0x0];
	_ =	sdelay $0x2  }
0x30: {  	s31 =	sshll.u32 s1, $0xD;
	s1 =	sshrl.u32 s1, $0x2  }
0x31: {  	s3 =	sand.u32 $0x4000, s31;
	s1 =	sadd.s32 s1, s30  }
0x32: {  	s0 =	sor.u32 s3, s0;
	s1 =	sshll.u32 s1, $0x11  }
0x33: {  	s0 =	sor.u32 s1, s0  }
0x34: {  	s0 =	sadd.s32 $0x8F2B, s0  }
0x35: {  	[sflag:s0] =	ssyncadd.remote.s32 $0x1  }
0x36: {  	_ =	sfence.sel $0xFFFF  }
0x37: {  	[dreg:$0x0] =	wrdreg $0xFFFFFFFF;
	(pc) =	sbr.abs _section_cstart, $3  }
0x38: {  	[dreg:$0x1] =	wrdreg $0xFFFFFFFF  }
0x39: {  	_ =	task.clear_ibuf [dreg:s7], $0x2FFFF;
	_ =	strace $0x9FFFFFFF  }
0x3a: {  	(tm) =	ssettm $0x7FFFFFFF  }
0x3b: {  	_ =	shalt  }
tec
execute0_lowered:
.L_overlay_start_1:
0x0: {  	(tag) =	ssettag $0x1  }
0x1: {  	s0 =	srdreg.scid  }
0x2: {  	s1 =	sshll.u32 s0, $0x4  }
0x3: {  	s4 =	rddreg [dreg:$0x0];
	s0 =	stileid.u32;
	s1 =	sand.u32 $0x10, s1  }
0x4: {  	s2 =	rddreg [dreg:$0x1];
	s7 =	simm.s32 $0x1;
	s1 =	sor.u32 s0, s1  }
0x5: {  	s8 =	simm.s32 $0x2;
	s11 =	simm.s32 $0x0;
	s3 =	sshll.u32 s1, $0x7  }
0x6: {  	s10 =	simm.s32 $0x0;
	s4 =	sadd.s32 $0x800, s4;
	s6 =	ssub.s32 $0x68000, s3  }
.Ltmp0:
0x7: {  	s1 =	rddreg [dreg:$0x2];
	s5 =	sand.u32 $0xF80, s6;
	(pc) =	sbr.rel .LBB1_1-.Ltmp0, $4  }
0x8: {  	_ =	strace $0x8000004A;
	s9 =	smov.u32 s3;
	p0 =	sne.s32 s5, $0x0  }
0x9: {  	s6 =	sshrl.u32 s6, $0xC;
	s5 =	simm.s32 $0x1;
	s7 =	simm.s32 @!p0 $0x0  }
0xa: {  	[sflag:s5] =	ssyncpa.u1 $0x0;
	p0 =	por $0x0, $0x0;
	s6 =	sadd.s32 s7, s6  }
0xb: {  	[sflag:s8] =	ssyncpa.u1 $0x0;
	s8 =	simm.s32 $0x340000;
	s7 =	sadd.s32 $0x1, s6  }
.LBB1_4:
0xc: {  	s14 =	sshll.u32 s11, $0x3  }
0xd: {  	s30 =	sand.u32 $0x7F, s11;
	s15 =	sand.u32 $0xFFFFFC00, s14  }
0xe: {  	s11 =	sor.u32 s30, s15  }
0xf: {  	s15 =	smulhi.u32 $0x4EC4EC4F, s11  }
0x10: {  	s14 =	smulhi.u32 $0x4EC4EC4F, s14  }
0x11: {  	s15 =	sshrl.u32 s15, $0x11  }
0x12: {  	s14 =	sshrl.u32 s14, $0x11;
	s15 =	smul.u32 $0x68000, s15  }
0x13: {  	s14 =	sand.u32 $0x1F, s14  }
0x14: {  	s14 =	smul.u32 $0xD000, s14;
	s11 =	ssub.s32 s11, s15  }
0x15: {  	s15 =	sand.u32 $0x7, s11  }
0x16: {  	s14 =	sadd.s32 s2, s14;
	s11 =	sshrl.u32 s11, $0x3;
	s15 =	sshll.u32 s15, $0x12  }
0x17: {  	[tilespmem:s13+$0x0 ss:$0x81] =	vst.msk $0xffff, v0;
	s11 =	sadd.s32 s11, s14;
	s31 =	sor.u32 $0x400, s15  }
0x18: {  	[hbm4b:s11+s31] =	stream.strided.scatter [tilespmem:s12], [sflag:$0x2], $0x1000, s8, s31, $0x20;
	[tilespmem:$0x4040] =	vst v63  }
.LBB1_5:
0x19: {  	s13 =	sadd.s32 $0x1000, s9  }
0x1a: {  	p2 =	sgt.s32 s13, $0x67FFF  }
0x1b: {  	s13 =	smov.u32 @p2 s3;
	p2 =	sne.s32 s10, s7  }
.Ltmp1:
0x1c: {  	p1 =	slt.u32 s10, $0x2;
	(pc) =	sbr.rel @!p2 .LBB1_6-.Ltmp1, $4  }
0x1d: {  	s12 =	simm.s32 @!p1 $0x2  }
0x1e: {  	s14 =	sadd.s32 $0x1, s10;
	_ =	swait.ge @!p1 [sflag:s12], $0x1000  }
0x1f: {  	s11 =	smov.u32 s9;
	p0 =	por !p0, !p0;
	[sflag:s12] =	ssyncset.done @!p1 $0x0  }
0x20: {  	s10 =	smov.u32 s14;
	s9 =	smov.u32 s13;
	[sflag:s12] =	ssyncadd.s32 @!p1 $0xFFFFF000  }
.LBB1_1:
0x21: {  	p1 =	sge.u32 s10, s6  }
0x22: {  	s12 =	sand.u32 @!p1 $0x1FFFFFF, s9  }
0x23: {  	s13 =	smulhi.u32 @!p1 $0x2762763, s12;
	_ =	sdelay $0x1  }
0x24: {  	s13 =	sshrl.u32 @!p1 s13, $0xC  }
0x25: {  	s13 =	smul.u32 @!p1 $0x68000, s13;
	_ =	sdelay $0x1  }
0x26: {  	s31 =	sadd.s32 $0xFFFFFFFF, s10;
	s14 =	sxor.u32 @!p1 $0xFFFFFFFF, s10;
	s12 =	ssub.s32 @!p1 s12, s13  }
0x27: {  	s15 =	simm.s32 @!p1 $0x80;
	s14 =	sshll.u32 @!p1 s14, $0xC;
	s12 =	sshll.u32 @!p1 s12, $0x4  }
0x28: {  	s13 =	sand.u32 @!p1 $0x1000, s14;
	s14 =	simm.s32 @!p1 $0x20;
	s12 =	sadd.s32 @!p1 s4, s12  }
0x29: {  	[tilespmem:s13], [sflag:$0x1] =	stream.strided.gather @!p1 [hbm4b:s12+s14], $0x1000, s15, s14, $0x38;
	[tilespmem:$0x4040] =	vst v63  }
0x2a: {  	p1 =	sge.u32 s31, s6  }
.Ltmp2:
0x2b: {  	_ = 	snop;
	(pc) =	sbr.rel @p1 .LBB1_5-.Ltmp2, $1  }
0x2c: {  	_ =	sdelay $0x3  }
0x2d: {  	s12 =	simm.s32 $0x1  }
0x2e: {  	_ =	swait.ge [sflag:s5], $0x1000;
	s12 =	simm.s32 @!p0 $0x0  }
0x2f: {  	[sflag:s5] =	ssyncset.done $0x0;
	s13 =	sshll.u32 s12, $0xC  }
0x30: {  	[sflag:s5] =	ssyncadd.s32 $0xFFFFF000;
	s16 =	sor.u32 $0x10, s13  }
0x31: {  	s12 =	smul.u32 $0x4080, s12;
	v1 =	vld [tilespmem:s16+$0x0]  }
0x32: {  	s30 =	sand.u32 $0x1, s10;
	v0 =	vld [tilespmem:s16+$0xFFFFFFF0]  }
0x33: {  	s13 =	smul.u32 $0x4080, s30;
	s12 =	sshrl.u32 s12, $0x2  }
0x34: {  	s14 =	sor.u32 $0x2000, s12  }
0x35: {  	s31 =	sshrl.u32 s13, $0x2;
	s13 =	sadd.s32 $0x0, s14  }
0x36: {  	s15 =	simm.s32 $0x4;
	s16 =	sadd.s32 $0x20, s16;
	s12 =	sor.u32 $0x2000, s31;
	[tilespmem:s13+$0x810 ss:$0x81] =	vst.msk $0xffff, v1  }
.LBB1_3:
0x37: {  	v1 =	vld [tilespmem:s16+$0x0];
	p1 =	sne.s32 s15, $0x1FC;
	[tilespmem:s13+$0x0 ss:$0x81] =	vst.msk $0xffff, v0;
	s13 =	smov.u32 s15;
	s15 =	sadd.s32 $0x4, s15  }
.Ltmp3:
0x38: {  	v0 =	vld [tilespmem:s16+$0xFFFFFFF0];
	(pc) =	sbr.rel @p1 .LBB1_3-.Ltmp3, $4  }
0x39: {  	_ = 	snop  }
0x3a: {  	s13 =	sshra.s32 s13, $0x2  }
0x3b: {  	s13 =	sadd.s32 s13, s14  }
0x3c: {  	s16 =	sadd.s32 $0x20, s16;
	[tilespmem:s13+$0x810 ss:$0x81] =	vst.msk $0xffff, v1  }
.Ltmp4:
0x3d: {  	_ = 	snop;
	(pc) =	sbr.rel .LBB1_4-.Ltmp4, $1  }
0x3e: {  	_ =	sdelay $0x3  }
.LBB1_6:
0x3f: {  	_ =	sfence.sel $0x180000  }
0x40: {  	s2 =	simm.s32 $0x1;
	[bflag:$0x0] =	sbarrier.arrive $0xFFFF  }
0x41: {  	s31 =	simm.s32 $0x2;
	[sflag:s2] =	ssyncpa.u1 $0x1  }
0x42: {  	[sflag:s31] =	ssyncpa.u1 $0x1  }
0x43: {  	p0 =	sne.s32 s0, $0x0;
	_ =	strace $0x9000004A  }
0x44: {  	s0 =	sadd.s32 @!p0 $0x100000, s1;
	[bflag:$0x2] =	sbarrier.arrive $0xFFFF  }
0x45: {  	[sflag:s0] =	ssyncadd.tile.s32 @!p0 $0x1;
	_ =	shalt  }
.Lfunc_end1:
_tile_overlayer_lowered:
.L_overlay_start_2:
0x46: {  	(tag) =	ssettag $0x2  }
0x47: {  	s0 =	rddreg [dreg:$0x0];
	s2 =	stileid.u32  }
0x48: {  	s1 =	rddreg [dreg:$0x1];
	p0 =	sne.s32 s2, $0x0  }
0x49: {  	s3 =	rddreg [dreg:$0x2];
	[bflag:$0x3] =	sbarrier.arrive $0xFFFF;
	s2 =	simm.s32 @!p0 $0x1C01  }
0x4a: {  	[timem:s3], [sflag:s2] =	dma.local @!p0 [hbm:s0], s1  }
0x4b: {  	s0 =	simm.s32 @!p0 $0x1  }
0x4c: {  	_ =	swait.ge @!p0 [sflag:s0], s1  }
0x4d: {  	s1 =	ssub.s32 @!p0 $0x0, s1;
	[sflag:s0] =	ssyncset.done @!p0 $0x0  }
0x4e: {  	[sflag:s0] =	ssyncadd.s32 @!p0 s1  }
0x4f: {  	[bflag:$0x3] =	sbarrier.arrive $0xFFFF  }
0x50: {  	_ =	shalt  }

</sc_bundles>
